<compile_context>
chip_gen: v7x
topology: tpu7x:2x2x1
jax: 0.10.2.dev20260603
libtpu: 0.0.44.dev20260713+nightly
codegen_flags: <defaults>
</compile_context>

<pallas_src>
import functools

import jax
import jax.numpy as jnp
from jax import lax
from jax.experimental import pallas as pl
from jax.experimental.pallas import tpu as pltpu
from jax.experimental.pallas import tpu_sc as plsc

NU = 16
ND = 48
NN = 50000
NE = 1600000
NC, NS = 2, 16
NW = NC * NS
CHUNK = 256
HALF = 128
NCH = NE // CHUNK
CH_BASE = NCH // NW
CH_EXTRA = NCH - CH_BASE * NW
AWORDS = 802816
ZW = AWORDS // NS
_BCAST_DIMS = lax.GatherDimensionNumbers(
    offset_dims=(), collapsed_slice_dims=(0,), start_index_map=(0,))


def _sc_scatter_body(deltas, idx1, idx2, out, d_v, uf1_v, if1_v,
                     uf2_v, if2_v, i1_v, i2_v, sem_s, acc):
    c = lax.axis_index("c")
    s = lax.axis_index("s")
    g = c * NS + s

    zero16 = jnp.zeros((16,), jnp.float32)

    @plsc.parallel_loop(0, HALF * NU // 16, unroll=8)
    def _(i):
        uf1_v[pl.ds(i * 16, 16)] = zero16

    z0 = s * ZW
    for q in range(24):
        pltpu.sync_copy(uf1_v, acc.at[pl.ds(z0 + q * 2048, 2048)])
    pltpu.sync_copy(uf1_v.at[pl.ds(0, ZW - 24 * 2048)],
                    acc.at[pl.ds(z0 + 24 * 2048, ZW - 24 * 2048)])
    plsc.subcore_barrier()

    nch = CH_BASE + jnp.where(g < CH_EXTRA, 1, 0)
    start = g * CH_BASE + jnp.minimum(g, CH_EXTRA)
    iota16 = lax.iota(jnp.int32, 16)

    def chunk_body(i, carry):
        base = (start + i) * CHUNK
        pltpu.sync_copy(idx1.at[pl.ds(base, CHUNK)], i1_v)
        pltpu.sync_copy(idx2.at[pl.ds(base, CHUNK)], i2_v)
        for h in range(2):
            pltpu.sync_copy(deltas.at[pl.ds(base + h * HALF, HALF)], d_v)

            @plsc.parallel_loop(0, HALF, unroll=8)
            def _(r):
                grp = (r >> 4) << 4
                lane = r - grp
                bvec = jnp.full((16, 1), lane, jnp.int32)
                i1v = i1_v[pl.ds(h * HALF + grp, 16)]
                n1 = lax.gather(i1v, bvec, _BCAST_DIMS, (1,),
                                mode=lax.GatherScatterMode.PROMISE_IN_BOUNDS)
                i2v = i2_v[pl.ds(h * HALF + grp, 16)]
                n2 = lax.gather(i2v, bvec, _BCAST_DIMS, (1,),
                                mode=lax.GatherScatterMode.PROMISE_IN_BOUNDS)
                uf1_v[pl.ds(r * 16, 16)] = d_v[r, 0:NU]
                if1_v[pl.ds(r * 16, 16)] = n1 * NU + iota16
                uf2_v[pl.ds(r * 16, 16)] = d_v[r, NU:2 * NU]
                if2_v[pl.ds(r * 16, 16)] = n2 * NU + iota16

            d1 = pltpu.async_copy(uf1_v, acc.at[if1_v], sem_s, add=True)
            d2 = pltpu.async_copy(uf2_v, acc.at[if2_v], sem_s, add=True)
            d1.wait()
            d2.wait()
        return carry

    lax.fori_loop(0, nch, chunk_body, 0)
    plsc.subcore_barrier()

    pltpu.sync_copy(acc.at[pl.ds(z0, ZW)], out.at[pl.ds(c * AWORDS + z0, ZW)])


_sc_scatter = functools.partial(
    pl.kernel,
    out_type=jax.ShapeDtypeStruct((NC * AWORDS,), jnp.float32),
    mesh=plsc.VectorSubcoreMesh(core_axis_name="c", subcore_axis_name="s"),
    scratch_types=[
        pltpu.VMEM((HALF, ND), jnp.float32),
        pltpu.VMEM((HALF * NU,), jnp.float32),
        pltpu.VMEM((HALF * NU,), jnp.int32),
        pltpu.VMEM((HALF * NU,), jnp.float32),
        pltpu.VMEM((HALF * NU,), jnp.int32),
        pltpu.VMEM((CHUNK,), jnp.int32),
        pltpu.VMEM((CHUNK,), jnp.int32),
        pltpu.SemaphoreType.DMA,
        pltpu.VMEM_SHARED((AWORDS,), jnp.float32),
    ],
)(_sc_scatter_body)


def _tc_sum_body(p_ref, o_ref):
    o_ref[...] = p_ref[0] + p_ref[1]


def _tc_sum(partials):
    cols = 128
    rows = AWORDS // cols
    blk = 784
    out = pl.pallas_call(
        _tc_sum_body,
        grid=(rows // blk,),
        in_specs=[pl.BlockSpec((NC, blk, cols), lambda i: (0, i, 0))],
        out_specs=pl.BlockSpec((blk, cols), lambda i: (i, 0)),
        out_shape=jax.ShapeDtypeStruct((rows, cols), jnp.float32),
    )(partials.reshape(NC, rows, cols))
    return out.reshape(AWORDS)[:NN * NU].reshape(NN, NU)


def kernel(unary, binary, deltas, index1, index2):
    idx1 = index1.astype(jnp.int32)
    idx2 = index2.astype(jnp.int32)
    partials = _sc_scatter(deltas, idx1, idx2)
    u = _tc_sum(partials)
    b = deltas[:, 2 * NU:]
    return (u, b)

# --- scband reference (transcript-rebuilt; emitter-appended) ---
"""Pipeline reference for scband-group-by-80015240724619 (READ-ONLY COPY).

The authoritative reference and input builder live on the scoring server;
editing this copy changes nothing except your own understanding.
"""

import jax, jax.numpy as jnp
import numpy as np

N_UNARY = 16
N_NODES = 50000
N_EDGES = 1600000
N_BINARY = 16

def setup_inputs(seed: int = 0) -> dict:
    key = jax.random.key(seed)
    k1, k2, k3, k4, k5 = jax.random.split(key, 5)
    unary = jax.random.normal(k1, (N_NODES, N_UNARY), dtype=jnp.float32)
    binary = jax.random.normal(k2, (N_EDGES, N_BINARY), dtype=jnp.float32)
    deltas = jax.random.normal(k3, (N_EDGES, 2 * N_UNARY + N_BINARY), dtype=jnp.float32)
    index1 = jax.random.randint(k4, (N_EDGES,), 0, N_NODES, dtype=jnp.int64 if jax.config.jax_enable_x64 else jnp.int32)
    index2 = jax.random.randint(k5, (N_EDGES,), 0, N_NODES, dtype=jnp.int64 if jax.config.jax_enable_x64 else jnp.int32)
    return {"unary": unary, "binary": binary, "deltas": deltas, "index1": index1, "index2": index2}

def reference(unary, binary, deltas, index1, index2):
    # Split deltas into unary deltas for object 1, object 2, and binary deltas.
    ux = deltas[:, :N_UNARY]
    uy = deltas[:, N_UNARY:2 * N_UNARY]
    b = deltas[:, 2 * N_UNARY:]
    # Scatter-add the per-edge unary deltas back onto the per-node unary tensor shape
    # (intended semantics of the torch scatter calls: group per-pair deltas by node index).
    u1 = jnp.zeros(unary.shape, dtype=unary.dtype).at[index1].add(ux)
    u2 = jnp.zeros(unary.shape, dtype=unary.dtype).at[index2].add(uy)
    return (u1 + u2, b)

if __name__ == "__main__":
    import jax
    _d = setup_inputs()
    print(jax.jit(kernel)(*tuple(_d.values())))

</pallas_src>

<mosaic_0001>
#map = affine_map<(d0, d1) -> (0, 0)>
#map1 = affine_map<(d0, d1) -> (0)>
module attributes {stable_mosaic.version = 14 : i64} {
  func.func @_sc_scatter_body(%arg0: i32, %arg1: i32, %arg2: memref<1600000x48xf32, #tpu.memory_space<hbm>>, %arg3: memref<1600000xi32, #tpu.memory_space<hbm>>, %arg4: memref<1600000xi32, #tpu.memory_space<hbm>>, %arg5: memref<1605632xf32, #tpu.memory_space<hbm>>, %arg6: memref<128x48xf32, #tpu.memory_space<vmem>>, %arg7: memref<2048xf32, #tpu.memory_space<vmem>>, %arg8: memref<2048xi32, #tpu.memory_space<vmem>>, %arg9: memref<2048xf32, #tpu.memory_space<vmem>>, %arg10: memref<2048xi32, #tpu.memory_space<vmem>>, %arg11: memref<256xi32, #tpu.memory_space<vmem>>, %arg12: memref<256xi32, #tpu.memory_space<vmem>>, %arg13: memref<!tpu.dma_semaphore, #tpu.memory_space<semaphore_mem>>, %arg14: memref<802816xf32, #tpu.memory_space<vmem_shared>>) attributes {dimension_semantics = [#tpu.dimension_semantics<core_parallel>, #tpu.dimension_semantics<subcore_parallel>], iteration_bounds = array<i64: 2, 16>, scalar_prefetch = 0 : i64, scratch_operands = 9 : i64, tpu.core_type = #tpu.core_type<sc_vector_subcore>, window_params = [{transform_indices = #map}, {transform_indices = #map1}, {transform_indices = #map1}, {transform_indices = #map1}]} {
    %mul3A = arith.constant 16 : i32
    %mul3A_0 = arith.muli %arg0, %mul3A : i32
    %add3A = arith.addi %mul3A_0, %arg1 : i32
    %broadcast_in_dim3A = arith.constant 0.000000e+00 : f32
    %broadcast_in_dim3A_1 = vector.broadcast %broadcast_in_dim3A : f32 to vector<16xf32>
    %parallel_loop3A = arith.constant 0 : i32
    %parallel_loop3A_2 = arith.constant 128 : i32
    %parallel_loop3A_3 = arith.constant 1 : i32
    scf.for %parallel_loop3A_77 = %parallel_loop3A to %parallel_loop3A_2 step %parallel_loop3A_3  : i32 {
      %parallel_loop3A_78 = arith.constant 16 : i32
      %parallel_loop3A_79 = arith.muli %parallel_loop3A_77, %parallel_loop3A_78 : i32
      %parallel_loop3A_80 = arith.index_cast %parallel_loop3A_79 : i32 to index
      %parallel_loop3A_81 = tpu.vector_load %arg7[%parallel_loop3A_80] {strides = array<i32>} : memref<2048xf32, #tpu.memory_space<vmem>>, vector<16xf32>,
      %parallel_loop3A_82 = vector.shape_cast %parallel_loop3A_81 : vector<16xf32> to vector<16xf32>
      %parallel_loop3A_83 = vector.shape_cast %broadcast_in_dim3A_1 : vector<16xf32> to vector<16xf32>
      tpu.vector_store %arg7[%parallel_loop3A_80], %parallel_loop3A_83 {strides = array<i32>} : memref<2048xf32, #tpu.memory_space<vmem>>, vector<16xf32>,
    } {sc.loop_unroll_factor = 8 : i64, sc.parallel_access}
    %mul3A_4 = arith.constant 50176 : i32
    %mul3A_5 = arith.muli %arg1, %mul3A_4 : i32
    %add3A_6 = arith.constant 0 : i32
    %add3A_7 = arith.addi %mul3A_5, %add3A_6 : i32
    "tpu.region"() ({
      %run_scoped3A = tpu.sem_alloc : memref<!tpu.dma_semaphore, #tpu.memory_space<semaphore_mem>>
      %dma_start3A = tpu.memref_slice %arg14[%add3A_7] : memref<802816xf32, #tpu.memory_space<vmem_shared>> -> memref<2048xf32, #tpu.memory_space<vmem_shared>>
      %dma_start3A_77 = tpu.memref_slice %arg14[%add3A_7] : memref<802816xf32, #tpu.memory_space<vmem_shared>> -> memref<2048xf32, #tpu.memory_space<vmem_shared>>
      tpu.enqueue_dma source(%arg7 : memref<2048xf32, #tpu.memory_space<vmem>>) target(%dma_start3A_77 : memref<2048xf32, #tpu.memory_space<vmem_shared>>) target_semaphore(%run_scoped3A : memref<!tpu.dma_semaphore, #tpu.memory_space<semaphore_mem>>)
      %dma_wait3A = tpu.memref_slice %arg14[%add3A_7] : memref<802816xf32, #tpu.memory_space<vmem_shared>> -> memref<2048xf32, #tpu.memory_space<vmem_shared>>
      %dma_wait3A_78 = tpu.memref_slice %arg14[%add3A_7] : memref<802816xf32, #tpu.memory_space<vmem_shared>> -> memref<2048xf32, #tpu.memory_space<vmem_shared>>
      tpu.wait_dma2 semaphore(%run_scoped3A : memref<!tpu.dma_semaphore, #tpu.memory_space<semaphore_mem>>) src(%arg7 : memref<2048xf32, #tpu.memory_space<vmem>>) dst(%dma_wait3A_78 : memref<2048xf32, #tpu.memory_space<vmem_shared>>)
      tpu.yield
    }) : () -> ()
    %add3A_8 = arith.constant 2048 : i32
    %add3A_9 = arith.addi %mul3A_5, %add3A_8 : i32
    "tpu.region"() ({
      %run_scoped3A = tpu.sem_alloc : memref<!tpu.dma_semaphore, #tpu.memory_space<semaphore_mem>>
      %dma_start3A = tpu.memref_slice %arg14[%add3A_9] : memref<802816xf32, #tpu.memory_space<vmem_shared>> -> memref<2048xf32, #tpu.memory_space<vmem_shared>>
      %dma_start3A_77 = tpu.memref_slice %arg14[%add3A_9] : memref<802816xf32, #tpu.memory_space<vmem_shared>> -> memref<2048xf32, #tpu.memory_space<vmem_shared>>
      tpu.enqueue_dma source(%arg7 : memref<2048xf32, #tpu.memory_space<vmem>>) target(%dma_start3A_77 : memref<2048xf32, #tpu.memory_space<vmem_shared>>) target_semaphore(%run_scoped3A : memref<!tpu.dma_semaphore, #tpu.memory_space<semaphore_mem>>)
      %dma_wait3A = tpu.memref_slice %arg14[%add3A_9] : memref<802816xf32, #tpu.memory_space<vmem_shared>> -> memref<2048xf32, #tpu.memory_space<vmem_shared>>
      %dma_wait3A_78 = tpu.memref_slice %arg14[%add3A_9] : memref<802816xf32, #tpu.memory_space<vmem_shared>> -> memref<2048xf32, #tpu.memory_space<vmem_shared>>
      tpu.wait_dma2 semaphore(%run_scoped3A : memref<!tpu.dma_semaphore, #tpu.memory_space<semaphore_mem>>) src(%arg7 : memref<2048xf32, #tpu.memory_space<vmem>>) dst(%dma_wait3A_78 : memref<2048xf32, #tpu.memory_space<vmem_shared>>)
      tpu.yield
    }) : () -> ()
    %add3A_10 = arith.constant 4096 : i32
    %add3A_11 = arith.addi %mul3A_5, %add3A_10 : i32
    "tpu.region"() ({
      %run_scoped3A = tpu.sem_alloc : memref<!tpu.dma_semaphore, #tpu.memory_space<semaphore_mem>>
      %dma_start3A = tpu.memref_slice %arg14[%add3A_11] : memref<802816xf32, #tpu.memory_space<vmem_shared>> -> memref<2048xf32, #tpu.memory_space<vmem_shared>>
      %dma_start3A_77 = tpu.memref_slice %arg14[%add3A_11] : memref<802816xf32, #tpu.memory_space<vmem_shared>> -> memref<2048xf32, #tpu.memory_space<vmem_shared>>
      tpu.enqueue_dma source(%arg7 : memref<2048xf32, #tpu.memory_space<vmem>>) target(%dma_start3A_77 : memref<2048xf32, #tpu.memory_space<vmem_shared>>) target_semaphore(%run_scoped3A : memref<!tpu.dma_semaphore, #tpu.memory_space<semaphore_mem>>)
      %dma_wait3A = tpu.memref_slice %arg14[%add3A_11] : memref<802816xf32, #tpu.memory_space<vmem_shared>> -> memref<2048xf32, #tpu.memory_space<vmem_shared>>
      %dma_wait3A_78 = tpu.memref_slice %arg14[%add3A_11] : memref<802816xf32, #tpu.memory_space<vmem_shared>> -> memref<2048xf32, #tpu.memory_space<vmem_shared>>
      tpu.wait_dma2 semaphore(%run_scoped3A : memref<!tpu.dma_semaphore, #tpu.memory_space<semaphore_mem>>) src(%arg7 : memref<2048xf32, #tpu.memory_space<vmem>>) dst(%dma_wait3A_78 : memref<2048xf32, #tpu.memory_space<vmem_shared>>)
      tpu.yield
    }) : () -> ()
    %add3A_12 = arith.constant 6144 : i32
    %add3A_13 = arith.addi %mul3A_5, %add3A_12 : i32
    "tpu.region"() ({
      %run_scoped3A = tpu.sem_alloc : memref<!tpu.dma_semaphore, #tpu.memory_space<semaphore_mem>>
      %dma_start3A = tpu.memref_slice %arg14[%add3A_13] : memref<802816xf32, #tpu.memory_space<vmem_shared>> -> memref<2048xf32, #tpu.memory_space<vmem_shared>>
      %dma_start3A_77 = tpu.memref_slice %arg14[%add3A_13] : memref<802816xf32, #tpu.memory_space<vmem_shared>> -> memref<2048xf32, #tpu.memory_space<vmem_shared>>
      tpu.enqueue_dma source(%arg7 : memref<2048xf32, #tpu.memory_space<vmem>>) target(%dma_start3A_77 : memref<2048xf32, #tpu.memory_space<vmem_shared>>) target_semaphore(%run_scoped3A : memref<!tpu.dma_semaphore, #tpu.memory_space<semaphore_mem>>)
      %dma_wait3A = tpu.memref_slice %arg14[%add3A_13] : memref<802816xf32, #tpu.memory_space<vmem_shared>> -> memref<2048xf32, #tpu.memory_space<vmem_shared>>
      %dma_wait3A_78 = tpu.memref_slice %arg14[%add3A_13] : memref<802816xf32, #tpu.memory_space<vmem_shared>> -> memref<2048xf32, #tpu.memory_space<vmem_shared>>
      tpu.wait_dma2 semaphore(%run_scoped3A : memref<!tpu.dma_semaphore, #tpu.memory_space<semaphore_mem>>) src(%arg7 : memref<2048xf32, #tpu.memory_space<vmem>>) dst(%dma_wait3A_78 : memref<2048xf32, #tpu.memory_space<vmem_shared>>)
      tpu.yield
    }) : () -> ()
    %add3A_14 = arith.constant 8192 : i32
    %add3A_15 = arith.addi %mul3A_5, %add3A_14 : i32
    "tpu.region"() ({
      %run_scoped3A = tpu.sem_alloc : memref<!tpu.dma_semaphore, #tpu.memory_space<semaphore_mem>>
      %dma_start3A = tpu.memref_slice %arg14[%add3A_15] : memref<802816xf32, #tpu.memory_space<vmem_shared>> -> memref<2048xf32, #tpu.memory_space<vmem_shared>>
      %dma_start3A_77 = tpu.memref_slice %arg14[%add3A_15] : memref<802816xf32, #tpu.memory_space<vmem_shared>> -> memref<2048xf32, #tpu.memory_space<vmem_shared>>
      tpu.enqueue_dma source(%arg7 : memref<2048xf32, #tpu.memory_space<vmem>>) target(%dma_start3A_77 : memref<2048xf32, #tpu.memory_space<vmem_shared>>) target_semaphore(%run_scoped3A : memref<!tpu.dma_semaphore, #tpu.memory_space<semaphore_mem>>)
      %dma_wait3A = tpu.memref_slice %arg14[%add3A_15] : memref<802816xf32, #tpu.memory_space<vmem_shared>> -> memref<2048xf32, #tpu.memory_space<vmem_shared>>
      %dma_wait3A_78 = tpu.memref_slice %arg14[%add3A_15] : memref<802816xf32, #tpu.memory_space<vmem_shared>> -> memref<2048xf32, #tpu.memory_space<vmem_shared>>
      tpu.wait_dma2 semaphore(%run_scoped3A : memref<!tpu.dma_semaphore, #tpu.memory_space<semaphore_mem>>) src(%arg7 : memref<2048xf32, #tpu.memory_space<vmem>>) dst(%dma_wait3A_78 : memref<2048xf32, #tpu.memory_space<vmem_shared>>)
      tpu.yield
    }) : () -> ()
    %add3A_16 = arith.constant 10240 : i32
    %add3A_17 = arith.addi %mul3A_5, %add3A_16 : i32
    "tpu.region"() ({
      %run_scoped3A = tpu.sem_alloc : memref<!tpu.dma_semaphore, #tpu.memory_space<semaphore_mem>>
      %dma_start3A = tpu.memref_slice %arg14[%add3A_17] : memref<802816xf32, #tpu.memory_space<vmem_shared>> -> memref<2048xf32, #tpu.memory_space<vmem_shared>>
      %dma_start3A_77 = tpu.memref_slice %arg14[%add3A_17] : memref<802816xf32, #tpu.memory_space<vmem_shared>> -> memref<2048xf32, #tpu.memory_space<vmem_shared>>
      tpu.enqueue_dma source(%arg7 : memref<2048xf32, #tpu.memory_space<vmem>>) target(%dma_start3A_77 : memref<2048xf32, #tpu.memory_space<vmem_shared>>) target_semaphore(%run_scoped3A : memref<!tpu.dma_semaphore, #tpu.memory_space<semaphore_mem>>)
      %dma_wait3A = tpu.memref_slice %arg14[%add3A_17] : memref<802816xf32, #tpu.memory_space<vmem_shared>> -> memref<2048xf32, #tpu.memory_space<vmem_shared>>
      %dma_wait3A_78 = tpu.memref_slice %arg14[%add3A_17] : memref<802816xf32, #tpu.memory_space<vmem_shared>> -> memref<2048xf32, #tpu.memory_space<vmem_shared>>
      tpu.wait_dma2 semaphore(%run_scoped3A : memref<!tpu.dma_semaphore, #tpu.memory_space<semaphore_mem>>) src(%arg7 : memref<2048xf32, #tpu.memory_space<vmem>>) dst(%dma_wait3A_78 : memref<2048xf32, #tpu.memory_space<vmem_shared>>)
      tpu.yield
    }) : () -> ()
    %add3A_18 = arith.constant 12288 : i32
    %add3A_19 = arith.addi %mul3A_5, %add3A_18 : i32
    "tpu.region"() ({
      %run_scoped3A = tpu.sem_alloc : memref<!tpu.dma_semaphore, #tpu.memory_space<semaphore_mem>>
      %dma_start3A = tpu.memref_slice %arg14[%add3A_19] : memref<802816xf32, #tpu.memory_space<vmem_shared>> -> memref<2048xf32, #tpu.memory_space<vmem_shared>>
      %dma_start3A_77 = tpu.memref_slice %arg14[%add3A_19] : memref<802816xf32, #tpu.memory_space<vmem_shared>> -> memref<2048xf32, #tpu.memory_space<vmem_shared>>
      tpu.enqueue_dma source(%arg7 : memref<2048xf32, #tpu.memory_space<vmem>>) target(%dma_start3A_77 : memref<2048xf32, #tpu.memory_space<vmem_shared>>) target_semaphore(%run_scoped3A : memref<!tpu.dma_semaphore, #tpu.memory_space<semaphore_mem>>)
      %dma_wait3A = tpu.memref_slice %arg14[%add3A_19] : memref<802816xf32, #tpu.memory_space<vmem_shared>> -> memref<2048xf32, #tpu.memory_space<vmem_shared>>
      %dma_wait3A_78 = tpu.memref_slice %arg14[%add3A_19] : memref<802816xf32, #tpu.memory_space<vmem_shared>> -> memref<2048xf32, #tpu.memory_space<vmem_shared>>
      tpu.wait_dma2 semaphore(%run_scoped3A : memref<!tpu.dma_semaphore, #tpu.memory_space<semaphore_mem>>) src(%arg7 : memref<2048xf32, #tpu.memory_space<vmem>>) dst(%dma_wait3A_78 : memref<2048xf32, #tpu.memory_space<vmem_shared>>)
      tpu.yield
    }) : () -> ()
    %add3A_20 = arith.constant 14336 : i32
    %add3A_21 = arith.addi %mul3A_5, %add3A_20 : i32
    "tpu.region"() ({
      %run_scoped3A = tpu.sem_alloc : memref<!tpu.dma_semaphore, #tpu.memory_space<semaphore_mem>>
      %dma_start3A = tpu.memref_slice %arg14[%add3A_21] : memref<802816xf32, #tpu.memory_space<vmem_shared>> -> memref<2048xf32, #tpu.memory_space<vmem_shared>>
      %dma_start3A_77 = tpu.memref_slice %arg14[%add3A_21] : memref<802816xf32, #tpu.memory_space<vmem_shared>> -> memref<2048xf32, #tpu.memory_space<vmem_shared>>
      tpu.enqueue_dma source(%arg7 : memref<2048xf32, #tpu.memory_space<vmem>>) target(%dma_start3A_77 : memref<2048xf32, #tpu.memory_space<vmem_shared>>) target_semaphore(%run_scoped3A : memref<!tpu.dma_semaphore, #tpu.memory_space<semaphore_mem>>)
      %dma_wait3A = tpu.memref_slice %arg14[%add3A_21] : memref<802816xf32, #tpu.memory_space<vmem_shared>> -> memref<2048xf32, #tpu.memory_space<vmem_shared>>
      %dma_wait3A_78 = tpu.memref_slice %arg14[%add3A_21] : memref<802816xf32, #tpu.memory_space<vmem_shared>> -> memref<2048xf32, #tpu.memory_space<vmem_shared>>
      tpu.wait_dma2 semaphore(%run_scoped3A : memref<!tpu.dma_semaphore, #tpu.memory_space<semaphore_mem>>) src(%arg7 : memref<2048xf32, #tpu.memory_space<vmem>>) dst(%dma_wait3A_78 : memref<2048xf32, #tpu.memory_space<vmem_shared>>)
      tpu.yield
    }) : () -> ()
    %add3A_22 = arith.constant 16384 : i32
    %add3A_23 = arith.addi %mul3A_5, %add3A_22 : i32
    "tpu.region"() ({
      %run_scoped3A = tpu.sem_alloc : memref<!tpu.dma_semaphore, #tpu.memory_space<semaphore_mem>>
      %dma_start3A = tpu.memref_slice %arg14[%add3A_23] : memref<802816xf32, #tpu.memory_space<vmem_shared>> -> memref<2048xf32, #tpu.memory_space<vmem_shared>>
      %dma_start3A_77 = tpu.memref_slice %arg14[%add3A_23] : memref<802816xf32, #tpu.memory_space<vmem_shared>> -> memref<2048xf32, #tpu.memory_space<vmem_shared>>
      tpu.enqueue_dma source(%arg7 : memref<2048xf32, #tpu.memory_space<vmem>>) target(%dma_start3A_77 : memref<2048xf32, #tpu.memory_space<vmem_shared>>) target_semaphore(%run_scoped3A : memref<!tpu.dma_semaphore, #tpu.memory_space<semaphore_mem>>)
      %dma_wait3A = tpu.memref_slice %arg14[%add3A_23] : memref<802816xf32, #tpu.memory_space<vmem_shared>> -> memref<2048xf32, #tpu.memory_space<vmem_shared>>
      %dma_wait3A_78 = tpu.memref_slice %arg14[%add3A_23] : memref<802816xf32, #tpu.memory_space<vmem_shared>> -> memref<2048xf32, #tpu.memory_space<vmem_shared>>
      tpu.wait_dma2 semaphore(%run_scoped3A : memref<!tpu.dma_semaphore, #tpu.memory_space<semaphore_mem>>) src(%arg7 : memref<2048xf32, #tpu.memory_space<vmem>>) dst(%dma_wait3A_78 : memref<2048xf32, #tpu.memory_space<vmem_shared>>)
      tpu.yield
    }) : () -> ()
    %add3A_24 = arith.constant 18432 : i32
    %add3A_25 = arith.addi %mul3A_5, %add3A_24 : i32
    "tpu.region"() ({
      %run_scoped3A = tpu.sem_alloc : memref<!tpu.dma_semaphore, #tpu.memory_space<semaphore_mem>>
      %dma_start3A = tpu.memref_slice %arg14[%add3A_25] : memref<802816xf32, #tpu.memory_space<vmem_shared>> -> memref<2048xf32, #tpu.memory_space<vmem_shared>>
      %dma_start3A_77 = tpu.memref_slice %arg14[%add3A_25] : memref<802816xf32, #tpu.memory_space<vmem_shared>> -> memref<2048xf32, #tpu.memory_space<vmem_shared>>
      tpu.enqueue_dma source(%arg7 : memref<2048xf32, #tpu.memory_space<vmem>>) target(%dma_start3A_77 : memref<2048xf32, #tpu.memory_space<vmem_shared>>) target_semaphore(%run_scoped3A : memref<!tpu.dma_semaphore, #tpu.memory_space<semaphore_mem>>)
      %dma_wait3A = tpu.memref_slice %arg14[%add3A_25] : memref<802816xf32, #tpu.memory_space<vmem_shared>> -> memref<2048xf32, #tpu.memory_space<vmem_shared>>
      %dma_wait3A_78 = tpu.memref_slice %arg14[%add3A_25] : memref<802816xf32, #tpu.memory_space<vmem_shared>> -> memref<2048xf32, #tpu.memory_space<vmem_shared>>
      tpu.wait_dma2 semaphore(%run_scoped3A : memref<!tpu.dma_semaphore, #tpu.memory_space<semaphore_mem>>) src(%arg7 : memref<2048xf32, #tpu.memory_space<vmem>>) dst(%dma_wait3A_78 : memref<2048xf32, #tpu.memory_space<vmem_shared>>)
      tpu.yield
    }) : () -> ()
    %add3A_26 = arith.constant 20480 : i32
    %add3A_27 = arith.addi %mul3A_5, %add3A_26 : i32
    "tpu.region"() ({
      %run_scoped3A = tpu.sem_alloc : memref<!tpu.dma_semaphore, #tpu.memory_space<semaphore_mem>>
      %dma_start3A = tpu.memref_slice %arg14[%add3A_27] : memref<802816xf32, #tpu.memory_space<vmem_shared>> -> memref<2048xf32, #tpu.memory_space<vmem_shared>>
      %dma_start3A_77 = tpu.memref_slice %arg14[%add3A_27] : memref<802816xf32, #tpu.memory_space<vmem_shared>> -> memref<2048xf32, #tpu.memory_space<vmem_shared>>
      tpu.enqueue_dma source(%arg7 : memref<2048xf32, #tpu.memory_space<vmem>>) target(%dma_start3A_77 : memref<2048xf32, #tpu.memory_space<vmem_shared>>) target_semaphore(%run_scoped3A : memref<!tpu.dma_semaphore, #tpu.memory_space<semaphore_mem>>)
      %dma_wait3A = tpu.memref_slice %arg14[%add3A_27] : memref<802816xf32, #tpu.memory_space<vmem_shared>> -> memref<2048xf32, #tpu.memory_space<vmem_shared>>
      %dma_wait3A_78 = tpu.memref_slice %arg14[%add3A_27] : memref<802816xf32, #tpu.memory_space<vmem_shared>> -> memref<2048xf32, #tpu.memory_space<vmem_shared>>
      tpu.wait_dma2 semaphore(%run_scoped3A : memref<!tpu.dma_semaphore, #tpu.memory_space<semaphore_mem>>) src(%arg7 : memref<2048xf32, #tpu.memory_space<vmem>>) dst(%dma_wait3A_78 : memref<2048xf32, #tpu.memory_space<vmem_shared>>)
      tpu.yield
    }) : () -> ()
    %add3A_28 = arith.constant 22528 : i32
    %add3A_29 = arith.addi %mul3A_5, %add3A_28 : i32
    "tpu.region"() ({
      %run_scoped3A = tpu.sem_alloc : memref<!tpu.dma_semaphore, #tpu.memory_space<semaphore_mem>>
      %dma_start3A = tpu.memref_slice %arg14[%add3A_29] : memref<802816xf32, #tpu.memory_space<vmem_shared>> -> memref<2048xf32, #tpu.memory_space<vmem_shared>>
      %dma_start3A_77 = tpu.memref_slice %arg14[%add3A_29] : memref<802816xf32, #tpu.memory_space<vmem_shared>> -> memref<2048xf32, #tpu.memory_space<vmem_shared>>
      tpu.enqueue_dma source(%arg7 : memref<2048xf32, #tpu.memory_space<vmem>>) target(%dma_start3A_77 : memref<2048xf32, #tpu.memory_space<vmem_shared>>) target_semaphore(%run_scoped3A : memref<!tpu.dma_semaphore, #tpu.memory_space<semaphore_mem>>)
      %dma_wait3A = tpu.memref_slice %arg14[%add3A_29] : memref<802816xf32, #tpu.memory_space<vmem_shared>> -> memref<2048xf32, #tpu.memory_space<vmem_shared>>
      %dma_wait3A_78 = tpu.memref_slice %arg14[%add3A_29] : memref<802816xf32, #tpu.memory_space<vmem_shared>> -> memref<2048xf32, #tpu.memory_space<vmem_shared>>
      tpu.wait_dma2 semaphore(%run_scoped3A : memref<!tpu.dma_semaphore, #tpu.memory_space<semaphore_mem>>) src(%arg7 : memref<2048xf32, #tpu.memory_space<vmem>>) dst(%dma_wait3A_78 : memref<2048xf32, #tpu.memory_space<vmem_shared>>)
      tpu.yield
    }) : () -> ()
    %add3A_30 = arith.constant 24576 : i32
    %add3A_31 = arith.addi %mul3A_5, %add3A_30 : i32
    "tpu.region"() ({
      %run_scoped3A = tpu.sem_alloc : memref<!tpu.dma_semaphore, #tpu.memory_space<semaphore_mem>>
      %dma_start3A = tpu.memref_slice %arg14[%add3A_31] : memref<802816xf32, #tpu.memory_space<vmem_shared>> -> memref<2048xf32, #tpu.memory_space<vmem_shared>>
      %dma_start3A_77 = tpu.memref_slice %arg14[%add3A_31] : memref<802816xf32, #tpu.memory_space<vmem_shared>> -> memref<2048xf32, #tpu.memory_space<vmem_shared>>
      tpu.enqueue_dma source(%arg7 : memref<2048xf32, #tpu.memory_space<vmem>>) target(%dma_start3A_77 : memref<2048xf32, #tpu.memory_space<vmem_shared>>) target_semaphore(%run_scoped3A : memref<!tpu.dma_semaphore, #tpu.memory_space<semaphore_mem>>)
      %dma_wait3A = tpu.memref_slice %arg14[%add3A_31] : memref<802816xf32, #tpu.memory_space<vmem_shared>> -> memref<2048xf32, #tpu.memory_space<vmem_shared>>
      %dma_wait3A_78 = tpu.memref_slice %arg14[%add3A_31] : memref<802816xf32, #tpu.memory_space<vmem_shared>> -> memref<2048xf32, #tpu.memory_space<vmem_shared>>
      tpu.wait_dma2 semaphore(%run_scoped3A : memref<!tpu.dma_semaphore, #tpu.memory_space<semaphore_mem>>) src(%arg7 : memref<2048xf32, #tpu.memory_space<vmem>>) dst(%dma_wait3A_78 : memref<2048xf32, #tpu.memory_space<vmem_shared>>)
      tpu.yield
    }) : () -> ()
    %add3A_32 = arith.constant 26624 : i32
    %add3A_33 = arith.addi %mul3A_5, %add3A_32 : i32
    "tpu.region"() ({
      %run_scoped3A = tpu.sem_alloc : memref<!tpu.dma_semaphore, #tpu.memory_space<semaphore_mem>>
      %dma_start3A = tpu.memref_slice %arg14[%add3A_33] : memref<802816xf32, #tpu.memory_space<vmem_shared>> -> memref<2048xf32, #tpu.memory_space<vmem_shared>>
      %dma_start3A_77 = tpu.memref_slice %arg14[%add3A_33] : memref<802816xf32, #tpu.memory_space<vmem_shared>> -> memref<2048xf32, #tpu.memory_space<vmem_shared>>
      tpu.enqueue_dma source(%arg7 : memref<2048xf32, #tpu.memory_space<vmem>>) target(%dma_start3A_77 : memref<2048xf32, #tpu.memory_space<vmem_shared>>) target_semaphore(%run_scoped3A : memref<!tpu.dma_semaphore, #tpu.memory_space<semaphore_mem>>)
      %dma_wait3A = tpu.memref_slice %arg14[%add3A_33] : memref<802816xf32, #tpu.memory_space<vmem_shared>> -> memref<2048xf32, #tpu.memory_space<vmem_shared>>
      %dma_wait3A_78 = tpu.memref_slice %arg14[%add3A_33] : memref<802816xf32, #tpu.memory_space<vmem_shared>> -> memref<2048xf32, #tpu.memory_space<vmem_shared>>
      tpu.wait_dma2 semaphore(%run_scoped3A : memref<!tpu.dma_semaphore, #tpu.memory_space<semaphore_mem>>) src(%arg7 : memref<2048xf32, #tpu.memory_space<vmem>>) dst(%dma_wait3A_78 : memref<2048xf32, #tpu.memory_space<vmem_shared>>)
      tpu.yield
    }) : () -> ()
    %add3A_34 = arith.constant 28672 : i32
    %add3A_35 = arith.addi %mul3A_5, %add3A_34 : i32
    "tpu.region"() ({
      %run_scoped3A = tpu.sem_alloc : memref<!tpu.dma_semaphore, #tpu.memory_space<semaphore_mem>>
      %dma_start3A = tpu.memref_slice %arg14[%add3A_35] : memref<802816xf32, #tpu.memory_space<vmem_shared>> -> memref<2048xf32, #tpu.memory_space<vmem_shared>>
      %dma_start3A_77 = tpu.memref_slice %arg14[%add3A_35] : memref<802816xf32, #tpu.memory_space<vmem_shared>> -> memref<2048xf32, #tpu.memory_space<vmem_shared>>
      tpu.enqueue_dma source(%arg7 : memref<2048xf32, #tpu.memory_space<vmem>>) target(%dma_start3A_77 : memref<2048xf32, #tpu.memory_space<vmem_shared>>) target_semaphore(%run_scoped3A : memref<!tpu.dma_semaphore, #tpu.memory_space<semaphore_mem>>)
      %dma_wait3A = tpu.memref_slice %arg14[%add3A_35] : memref<802816xf32, #tpu.memory_space<vmem_shared>> -> memref<2048xf32, #tpu.memory_space<vmem_shared>>
      %dma_wait3A_78 = tpu.memref_slice %arg14[%add3A_35] : memref<802816xf32, #tpu.memory_space<vmem_shared>> -> memref<2048xf32, #tpu.memory_space<vmem_shared>>
      tpu.wait_dma2 semaphore(%run_scoped3A : memref<!tpu.dma_semaphore, #tpu.memory_space<semaphore_mem>>) src(%arg7 : memref<2048xf32, #tpu.memory_space<vmem>>) dst(%dma_wait3A_78 : memref<2048xf32, #tpu.memory_space<vmem_shared>>)
      tpu.yield
    }) : () -> ()
    %add3A_36 = arith.constant 30720 : i32
    %add3A_37 = arith.addi %mul3A_5, %add3A_36 : i32
    "tpu.region"() ({
      %run_scoped3A = tpu.sem_alloc : memref<!tpu.dma_semaphore, #tpu.memory_space<semaphore_mem>>
      %dma_start3A = tpu.memref_slice %arg14[%add3A_37] : memref<802816xf32, #tpu.memory_space<vmem_shared>> -> memref<2048xf32, #tpu.memory_space<vmem_shared>>
      %dma_start3A_77 = tpu.memref_slice %arg14[%add3A_37] : memref<802816xf32, #tpu.memory_space<vmem_shared>> -> memref<2048xf32, #tpu.memory_space<vmem_shared>>
      tpu.enqueue_dma source(%arg7 : memref<2048xf32, #tpu.memory_space<vmem>>) target(%dma_start3A_77 : memref<2048xf32, #tpu.memory_space<vmem_shared>>) target_semaphore(%run_scoped3A : memref<!tpu.dma_semaphore, #tpu.memory_space<semaphore_mem>>)
      %dma_wait3A = tpu.memref_slice %arg14[%add3A_37] : memref<802816xf32, #tpu.memory_space<vmem_shared>> -> memref<2048xf32, #tpu.memory_space<vmem_shared>>
      %dma_wait3A_78 = tpu.memref_slice %arg14[%add3A_37] : memref<802816xf32, #tpu.memory_space<vmem_shared>> -> memref<2048xf32, #tpu.memory_space<vmem_shared>>
      tpu.wait_dma2 semaphore(%run_scoped3A : memref<!tpu.dma_semaphore, #tpu.memory_space<semaphore_mem>>) src(%arg7 : memref<2048xf32, #tpu.memory_space<vmem>>) dst(%dma_wait3A_78 : memref<2048xf32, #tpu.memory_space<vmem_shared>>)
      tpu.yield
    }) : () -> ()
    %add3A_38 = arith.constant 32768 : i32
    %add3A_39 = arith.addi %mul3A_5, %add3A_38 : i32
    "tpu.region"() ({
      %run_scoped3A = tpu.sem_alloc : memref<!tpu.dma_semaphore, #tpu.memory_space<semaphore_mem>>
      %dma_start3A = tpu.memref_slice %arg14[%add3A_39] : memref<802816xf32, #tpu.memory_space<vmem_shared>> -> memref<2048xf32, #tpu.memory_space<vmem_shared>>
      %dma_start3A_77 = tpu.memref_slice %arg14[%add3A_39] : memref<802816xf32, #tpu.memory_space<vmem_shared>> -> memref<2048xf32, #tpu.memory_space<vmem_shared>>
      tpu.enqueue_dma source(%arg7 : memref<2048xf32, #tpu.memory_space<vmem>>) target(%dma_start3A_77 : memref<2048xf32, #tpu.memory_space<vmem_shared>>) target_semaphore(%run_scoped3A : memref<!tpu.dma_semaphore, #tpu.memory_space<semaphore_mem>>)
      %dma_wait3A = tpu.memref_slice %arg14[%add3A_39] : memref<802816xf32, #tpu.memory_space<vmem_shared>> -> memref<2048xf32, #tpu.memory_space<vmem_shared>>
      %dma_wait3A_78 = tpu.memref_slice %arg14[%add3A_39] : memref<802816xf32, #tpu.memory_space<vmem_shared>> -> memref<2048xf32, #tpu.memory_space<vmem_shared>>
      tpu.wait_dma2 semaphore(%run_scoped3A : memref<!tpu.dma_semaphore, #tpu.memory_space<semaphore_mem>>) src(%arg7 : memref<2048xf32, #tpu.memory_space<vmem>>) dst(%dma_wait3A_78 : memref<2048xf32, #tpu.memory_space<vmem_shared>>)
      tpu.yield
    }) : () -> ()
    %add3A_40 = arith.constant 34816 : i32
    %add3A_41 = arith.addi %mul3A_5, %add3A_40 : i32
    "tpu.region"() ({
      %run_scoped3A = tpu.sem_alloc : memref<!tpu.dma_semaphore, #tpu.memory_space<semaphore_mem>>
      %dma_start3A = tpu.memref_slice %arg14[%add3A_41] : memref<802816xf32, #tpu.memory_space<vmem_shared>> -> memref<2048xf32, #tpu.memory_space<vmem_shared>>
      %dma_start3A_77 = tpu.memref_slice %arg14[%add3A_41] : memref<802816xf32, #tpu.memory_space<vmem_shared>> -> memref<2048xf32, #tpu.memory_space<vmem_shared>>
      tpu.enqueue_dma source(%arg7 : memref<2048xf32, #tpu.memory_space<vmem>>) target(%dma_start3A_77 : memref<2048xf32, #tpu.memory_space<vmem_shared>>) target_semaphore(%run_scoped3A : memref<!tpu.dma_semaphore, #tpu.memory_space<semaphore_mem>>)
      %dma_wait3A = tpu.memref_slice %arg14[%add3A_41] : memref<802816xf32, #tpu.memory_space<vmem_shared>> -> memref<2048xf32, #tpu.memory_space<vmem_shared>>
      %dma_wait3A_78 = tpu.memref_slice %arg14[%add3A_41] : memref<802816xf32, #tpu.memory_space<vmem_shared>> -> memref<2048xf32, #tpu.memory_space<vmem_shared>>
      tpu.wait_dma2 semaphore(%run_scoped3A : memref<!tpu.dma_semaphore, #tpu.memory_space<semaphore_mem>>) src(%arg7 : memref<2048xf32, #tpu.memory_space<vmem>>) dst(%dma_wait3A_78 : memref<2048xf32, #tpu.memory_space<vmem_shared>>)
      tpu.yield
    }) : () -> ()
    %add3A_42 = arith.constant 36864 : i32
    %add3A_43 = arith.addi %mul3A_5, %add3A_42 : i32
    "tpu.region"() ({
      %run_scoped3A = tpu.sem_alloc : memref<!tpu.dma_semaphore, #tpu.memory_space<semaphore_mem>>
      %dma_start3A = tpu.memref_slice %arg14[%add3A_43] : memref<802816xf32, #tpu.memory_space<vmem_shared>> -> memref<2048xf32, #tpu.memory_space<vmem_shared>>
      %dma_start3A_77 = tpu.memref_slice %arg14[%add3A_43] : memref<802816xf32, #tpu.memory_space<vmem_shared>> -> memref<2048xf32, #tpu.memory_space<vmem_shared>>
      tpu.enqueue_dma source(%arg7 : memref<2048xf32, #tpu.memory_space<vmem>>) target(%dma_start3A_77 : memref<2048xf32, #tpu.memory_space<vmem_shared>>) target_semaphore(%run_scoped3A : memref<!tpu.dma_semaphore, #tpu.memory_space<semaphore_mem>>)
      %dma_wait3A = tpu.memref_slice %arg14[%add3A_43] : memref<802816xf32, #tpu.memory_space<vmem_shared>> -> memref<2048xf32, #tpu.memory_space<vmem_shared>>
      %dma_wait3A_78 = tpu.memref_slice %arg14[%add3A_43] : memref<802816xf32, #tpu.memory_space<vmem_shared>> -> memref<2048xf32, #tpu.memory_space<vmem_shared>>
      tpu.wait_dma2 semaphore(%run_scoped3A : memref<!tpu.dma_semaphore, #tpu.memory_space<semaphore_mem>>) src(%arg7 : memref<2048xf32, #tpu.memory_space<vmem>>) dst(%dma_wait3A_78 : memref<2048xf32, #tpu.memory_space<vmem_shared>>)
      tpu.yield
    }) : () -> ()
    %add3A_44 = arith.constant 38912 : i32
    %add3A_45 = arith.addi %mul3A_5, %add3A_44 : i32
    "tpu.region"() ({
      %run_scoped3A = tpu.sem_alloc : memref<!tpu.dma_semaphore, #tpu.memory_space<semaphore_mem>>
      %dma_start3A = tpu.memref_slice %arg14[%add3A_45] : memref<802816xf32, #tpu.memory_space<vmem_shared>> -> memref<2048xf32, #tpu.memory_space<vmem_shared>>
      %dma_start3A_77 = tpu.memref_slice %arg14[%add3A_45] : memref<802816xf32, #tpu.memory_space<vmem_shared>> -> memref<2048xf32, #tpu.memory_space<vmem_shared>>
      tpu.enqueue_dma source(%arg7 : memref<2048xf32, #tpu.memory_space<vmem>>) target(%dma_start3A_77 : memref<2048xf32, #tpu.memory_space<vmem_shared>>) target_semaphore(%run_scoped3A : memref<!tpu.dma_semaphore, #tpu.memory_space<semaphore_mem>>)
      %dma_wait3A = tpu.memref_slice %arg14[%add3A_45] : memref<802816xf32, #tpu.memory_space<vmem_shared>> -> memref<2048xf32, #tpu.memory_space<vmem_shared>>
      %dma_wait3A_78 = tpu.memref_slice %arg14[%add3A_45] : memref<802816xf32, #tpu.memory_space<vmem_shared>> -> memref<2048xf32, #tpu.memory_space<vmem_shared>>
      tpu.wait_dma2 semaphore(%run_scoped3A : memref<!tpu.dma_semaphore, #tpu.memory_space<semaphore_mem>>) src(%arg7 : memref<2048xf32, #tpu.memory_space<vmem>>) dst(%dma_wait3A_78 : memref<2048xf32, #tpu.memory_space<vmem_shared>>)
      tpu.yield
    }) : () -> ()
    %add3A_46 = arith.constant 40960 : i32
    %add3A_47 = arith.addi %mul3A_5, %add3A_46 : i32
    "tpu.region"() ({
      %run_scoped3A = tpu.sem_alloc : memref<!tpu.dma_semaphore, #tpu.memory_space<semaphore_mem>>
      %dma_start3A = tpu.memref_slice %arg14[%add3A_47] : memref<802816xf32, #tpu.memory_space<vmem_shared>> -> memref<2048xf32, #tpu.memory_space<vmem_shared>>
      %dma_start3A_77 = tpu.memref_slice %arg14[%add3A_47] : memref<802816xf32, #tpu.memory_space<vmem_shared>> -> memref<2048xf32, #tpu.memory_space<vmem_shared>>
      tpu.enqueue_dma source(%arg7 : memref<2048xf32, #tpu.memory_space<vmem>>) target(%dma_start3A_77 : memref<2048xf32, #tpu.memory_space<vmem_shared>>) target_semaphore(%run_scoped3A : memref<!tpu.dma_semaphore, #tpu.memory_space<semaphore_mem>>)
      %dma_wait3A = tpu.memref_slice %arg14[%add3A_47] : memref<802816xf32, #tpu.memory_space<vmem_shared>> -> memref<2048xf32, #tpu.memory_space<vmem_shared>>
      %dma_wait3A_78 = tpu.memref_slice %arg14[%add3A_47] : memref<802816xf32, #tpu.memory_space<vmem_shared>> -> memref<2048xf32, #tpu.memory_space<vmem_shared>>
      tpu.wait_dma2 semaphore(%run_scoped3A : memref<!tpu.dma_semaphore, #tpu.memory_space<semaphore_mem>>) src(%arg7 : memref<2048xf32, #tpu.memory_space<vmem>>) dst(%dma_wait3A_78 : memref<2048xf32, #tpu.memory_space<vmem_shared>>)
      tpu.yield
    }) : () -> ()
    %add3A_48 = arith.constant 43008 : i32
    %add3A_49 = arith.addi %mul3A_5, %add3A_48 : i32
    "tpu.region"() ({
      %run_scoped3A = tpu.sem_alloc : memref<!tpu.dma_semaphore, #tpu.memory_space<semaphore_mem>>
      %dma_start3A = tpu.memref_slice %arg14[%add3A_49] : memref<802816xf32, #tpu.memory_space<vmem_shared>> -> memref<2048xf32, #tpu.memory_space<vmem_shared>>
      %dma_start3A_77 = tpu.memref_slice %arg14[%add3A_49] : memref<802816xf32, #tpu.memory_space<vmem_shared>> -> memref<2048xf32, #tpu.memory_space<vmem_shared>>
      tpu.enqueue_dma source(%arg7 : memref<2048xf32, #tpu.memory_space<vmem>>) target(%dma_start3A_77 : memref<2048xf32, #tpu.memory_space<vmem_shared>>) target_semaphore(%run_scoped3A : memref<!tpu.dma_semaphore, #tpu.memory_space<semaphore_mem>>)
      %dma_wait3A = tpu.memref_slice %arg14[%add3A_49] : memref<802816xf32, #tpu.memory_space<vmem_shared>> -> memref<2048xf32, #tpu.memory_space<vmem_shared>>
      %dma_wait3A_78 = tpu.memref_slice %arg14[%add3A_49] : memref<802816xf32, #tpu.memory_space<vmem_shared>> -> memref<2048xf32, #tpu.memory_space<vmem_shared>>
      tpu.wait_dma2 semaphore(%run_scoped3A : memref<!tpu.dma_semaphore, #tpu.memory_space<semaphore_mem>>) src(%arg7 : memref<2048xf32, #tpu.memory_space<vmem>>) dst(%dma_wait3A_78 : memref<2048xf32, #tpu.memory_space<vmem_shared>>)
      tpu.yield
    }) : () -> ()
    %add3A_50 = arith.constant 45056 : i32
    %add3A_51 = arith.addi %mul3A_5, %add3A_50 : i32
    "tpu.region"() ({
      %run_scoped3A = tpu.sem_alloc : memref<!tpu.dma_semaphore, #tpu.memory_space<semaphore_mem>>
      %dma_start3A = tpu.memref_slice %arg14[%add3A_51] : memref<802816xf32, #tpu.memory_space<vmem_shared>> -> memref<2048xf32, #tpu.memory_space<vmem_shared>>
      %dma_start3A_77 = tpu.memref_slice %arg14[%add3A_51] : memref<802816xf32, #tpu.memory_space<vmem_shared>> -> memref<2048xf32, #tpu.memory_space<vmem_shared>>
      tpu.enqueue_dma source(%arg7 : memref<2048xf32, #tpu.memory_space<vmem>>) target(%dma_start3A_77 : memref<2048xf32, #tpu.memory_space<vmem_shared>>) target_semaphore(%run_scoped3A : memref<!tpu.dma_semaphore, #tpu.memory_space<semaphore_mem>>)
      %dma_wait3A = tpu.memref_slice %arg14[%add3A_51] : memref<802816xf32, #tpu.memory_space<vmem_shared>> -> memref<2048xf32, #tpu.memory_space<vmem_shared>>
      %dma_wait3A_78 = tpu.memref_slice %arg14[%add3A_51] : memref<802816xf32, #tpu.memory_space<vmem_shared>> -> memref<2048xf32, #tpu.memory_space<vmem_shared>>
      tpu.wait_dma2 semaphore(%run_scoped3A : memref<!tpu.dma_semaphore, #tpu.memory_space<semaphore_mem>>) src(%arg7 : memref<2048xf32, #tpu.memory_space<vmem>>) dst(%dma_wait3A_78 : memref<2048xf32, #tpu.memory_space<vmem_shared>>)
      tpu.yield
    }) : () -> ()
    %add3A_52 = arith.constant 47104 : i32
    %add3A_53 = arith.addi %mul3A_5, %add3A_52 : i32
    "tpu.region"() ({
      %run_scoped3A = tpu.sem_alloc : memref<!tpu.dma_semaphore, #tpu.memory_space<semaphore_mem>>
      %dma_start3A = tpu.memref_slice %arg14[%add3A_53] : memref<802816xf32, #tpu.memory_space<vmem_shared>> -> memref<2048xf32, #tpu.memory_space<vmem_shared>>
      %dma_start3A_77 = tpu.memref_slice %arg14[%add3A_53] : memref<802816xf32, #tpu.memory_space<vmem_shared>> -> memref<2048xf32, #tpu.memory_space<vmem_shared>>
      tpu.enqueue_dma source(%arg7 : memref<2048xf32, #tpu.memory_space<vmem>>) target(%dma_start3A_77 : memref<2048xf32, #tpu.memory_space<vmem_shared>>) target_semaphore(%run_scoped3A : memref<!tpu.dma_semaphore, #tpu.memory_space<semaphore_mem>>)
      %dma_wait3A = tpu.memref_slice %arg14[%add3A_53] : memref<802816xf32, #tpu.memory_space<vmem_shared>> -> memref<2048xf32, #tpu.memory_space<vmem_shared>>
      %dma_wait3A_78 = tpu.memref_slice %arg14[%add3A_53] : memref<802816xf32, #tpu.memory_space<vmem_shared>> -> memref<2048xf32, #tpu.memory_space<vmem_shared>>
      tpu.wait_dma2 semaphore(%run_scoped3A : memref<!tpu.dma_semaphore, #tpu.memory_space<semaphore_mem>>) src(%arg7 : memref<2048xf32, #tpu.memory_space<vmem>>) dst(%dma_wait3A_78 : memref<2048xf32, #tpu.memory_space<vmem_shared>>)
      tpu.yield
    }) : () -> ()
    %add3A_54 = arith.constant 49152 : i32
    %add3A_55 = arith.addi %mul3A_5, %add3A_54 : i32
    "tpu.region"() ({
      %run_scoped3A = tpu.sem_alloc : memref<!tpu.dma_semaphore, #tpu.memory_space<semaphore_mem>>
      %dma_start3A = arith.constant 0 : i32
      %dma_start3A_77 = tpu.memref_slice %arg7[%dma_start3A] : memref<2048xf32, #tpu.memory_space<vmem>> -> memref<1024xf32, #tpu.memory_space<vmem>>
      %dma_start3A_78 = tpu.memref_slice %arg14[%add3A_55] : memref<802816xf32, #tpu.memory_space<vmem_shared>> -> memref<1024xf32, #tpu.memory_space<vmem_shared>>
      %dma_start3A_79 = tpu.memref_slice %arg14[%add3A_55] : memref<802816xf32, #tpu.memory_space<vmem_shared>> -> memref<1024xf32, #tpu.memory_space<vmem_shared>>
      %dma_start3A_80 = arith.constant 0 : i32
      %dma_start3A_81 = tpu.memref_slice %arg7[%dma_start3A_80] : memref<2048xf32, #tpu.memory_space<vmem>> -> memref<1024xf32, #tpu.memory_space<vmem>>
      tpu.enqueue_dma source(%dma_start3A_81 : memref<1024xf32, #tpu.memory_space<vmem>>) target(%dma_start3A_79 : memref<1024xf32, #tpu.memory_space<vmem_shared>>) target_semaphore(%run_scoped3A : memref<!tpu.dma_semaphore, #tpu.memory_space<semaphore_mem>>)
      %dma_wait3A = arith.constant 0 : i32
      %dma_wait3A_82 = tpu.memref_slice %arg7[%dma_wait3A] : memref<2048xf32, #tpu.memory_space<vmem>> -> memref<1024xf32, #tpu.memory_space<vmem>>
      %dma_wait3A_83 = tpu.memref_slice %arg14[%add3A_55] : memref<802816xf32, #tpu.memory_space<vmem_shared>> -> memref<1024xf32, #tpu.memory_space<vmem_shared>>
      %dma_wait3A_84 = tpu.memref_slice %arg14[%add3A_55] : memref<802816xf32, #tpu.memory_space<vmem_shared>> -> memref<1024xf32, #tpu.memory_space<vmem_shared>>
      %dma_wait3A_85 = arith.constant 0 : i32
      %dma_wait3A_86 = tpu.memref_slice %arg7[%dma_wait3A_85] : memref<2048xf32, #tpu.memory_space<vmem>> -> memref<1024xf32, #tpu.memory_space<vmem>>
      tpu.wait_dma2 semaphore(%run_scoped3A : memref<!tpu.dma_semaphore, #tpu.memory_space<semaphore_mem>>) src(%dma_wait3A_86 : memref<1024xf32, #tpu.memory_space<vmem>>) dst(%dma_wait3A_84 : memref<1024xf32, #tpu.memory_space<vmem_shared>>)
      tpu.yield
    }) : () -> ()
    %barrier3A = arith.constant 0 : index
    tpu.barrier barrier_id(%barrier3A)
    %lt3A = arith.constant 10 : i32
    %lt3A_56 = arith.cmpi slt, %add3A, %lt3A : i32
    %jit3A = arith.constant 1 : i32
    %jit3A_57 = arith.constant 0 : i32
    %select_n3A = arith.select %lt3A_56, %jit3A, %jit3A_57 : i32
    %add3A_58 = arith.constant 195 : i32
    %add3A_59 = arith.addi %add3A_58, %select_n3A : i32
    %mul3A_60 = arith.constant 195 : i32
    %mul3A_61 = arith.muli %add3A, %mul3A_60 : i32
    %min3A = arith.constant 10 : i32
    %min3A_62 = arith.minsi %add3A, %min3A : i32
    %add3A_63 = arith.addi %mul3A_61, %min3A_62 : i32
    %iota3A = tpu.iota {dimensions = array<i32: 0>} : vector<16xi32>
    %while3A = arith.constant 0 : i32
    %while3A_64 = arith.constant 0 : i32
    %while3A_65 = arith.subi %add3A_59, %while3A_64 : i32
    %while3A_66 = arith.addi %while3A_64, %while3A_65 : i32
    %while3A_67 = arith.constant 1 : i32
    %while3A_68 = arith.divsi %while3A_65, %while3A_67 : i32
    %while3A_69 = arith.muli %while3A_68, %while3A_67 : i32
    %while3A_70 = arith.addi %while3A_64, %while3A_69 : i32
    %while3A_71 = arith.constant 1 : i32
    scf.for %while3A_77 = %while3A_64 to %while3A_70 step %while3A_71  : i32 {
      %add3A_78 = arith.addi %add3A_63, %while3A_77 : i32
      %mul3A_79 = arith.constant 256 : i32
      %mul3A_80 = arith.muli %add3A_78, %mul3A_79 : i32
      "tpu.region"() ({
        %run_scoped3A = tpu.sem_alloc : memref<!tpu.dma_semaphore, #tpu.memory_space<semaphore_mem>>
        %dma_start3A_105 = tpu.memref_slice %arg3[%mul3A_80] : memref<1600000xi32, #tpu.memory_space<hbm>> -> memref<256xi32, #tpu.memory_space<hbm>>
        %dma_start3A_106 = tpu.memref_slice %arg3[%mul3A_80] : memref<1600000xi32, #tpu.memory_space<hbm>> -> memref<256xi32, #tpu.memory_space<hbm>>
        tpu.enqueue_dma source(%dma_start3A_106 : memref<256xi32, #tpu.memory_space<hbm>>) target(%arg11 : memref<256xi32, #tpu.memory_space<vmem>>) target_semaphore(%run_scoped3A : memref<!tpu.dma_semaphore, #tpu.memory_space<semaphore_mem>>)
        %dma_wait3A_107 = tpu.memref_slice %arg3[%mul3A_80] : memref<1600000xi32, #tpu.memory_space<hbm>> -> memref<256xi32, #tpu.memory_space<hbm>>
        %dma_wait3A_108 = tpu.memref_slice %arg3[%mul3A_80] : memref<1600000xi32, #tpu.memory_space<hbm>> -> memref<256xi32, #tpu.memory_space<hbm>>
        tpu.wait_dma2 semaphore(%run_scoped3A : memref<!tpu.dma_semaphore, #tpu.memory_space<semaphore_mem>>) src(%dma_wait3A_108 : memref<256xi32, #tpu.memory_space<hbm>>) dst(%arg11 : memref<256xi32, #tpu.memory_space<vmem>>)
        tpu.yield
      }) : () -> ()
      "tpu.region"() ({
        %run_scoped3A = tpu.sem_alloc : memref<!tpu.dma_semaphore, #tpu.memory_space<semaphore_mem>>
        %dma_start3A_105 = tpu.memref_slice %arg4[%mul3A_80] : memref<1600000xi32, #tpu.memory_space<hbm>> -> memref<256xi32, #tpu.memory_space<hbm>>
        %dma_start3A_106 = tpu.memref_slice %arg4[%mul3A_80] : memref<1600000xi32, #tpu.memory_space<hbm>> -> memref<256xi32, #tpu.memory_space<hbm>>
        tpu.enqueue_dma source(%dma_start3A_106 : memref<256xi32, #tpu.memory_space<hbm>>) target(%arg12 : memref<256xi32, #tpu.memory_space<vmem>>) target_semaphore(%run_scoped3A : memref<!tpu.dma_semaphore, #tpu.memory_space<semaphore_mem>>)
        %dma_wait3A_107 = tpu.memref_slice %arg4[%mul3A_80] : memref<1600000xi32, #tpu.memory_space<hbm>> -> memref<256xi32, #tpu.memory_space<hbm>>
        %dma_wait3A_108 = tpu.memref_slice %arg4[%mul3A_80] : memref<1600000xi32, #tpu.memory_space<hbm>> -> memref<256xi32, #tpu.memory_space<hbm>>
        tpu.wait_dma2 semaphore(%run_scoped3A : memref<!tpu.dma_semaphore, #tpu.memory_space<semaphore_mem>>) src(%dma_wait3A_108 : memref<256xi32, #tpu.memory_space<hbm>>) dst(%arg12 : memref<256xi32, #tpu.memory_space<vmem>>)
        tpu.yield
      }) : () -> ()
      %add3A_81 = arith.constant 0 : i32
      %add3A_82 = arith.addi %mul3A_80, %add3A_81 : i32
      "tpu.region"() ({
        %run_scoped3A = tpu.sem_alloc : memref<!tpu.dma_semaphore, #tpu.memory_space<semaphore_mem>>
        %dma_start3A_105 = arith.constant 0 : i32
        %dma_start3A_106 = tpu.memref_slice %arg2[%add3A_82, %dma_start3A_105] : memref<1600000x48xf32, #tpu.memory_space<hbm>> -> memref<128x48xf32, #tpu.memory_space<hbm>>
        %dma_start3A_107 = arith.constant 0 : i32
        %dma_start3A_108 = tpu.memref_slice %arg2[%add3A_82, %dma_start3A_107] : memref<1600000x48xf32, #tpu.memory_space<hbm>> -> memref<128x48xf32, #tpu.memory_space<hbm>>
        tpu.enqueue_dma source(%dma_start3A_108 : memref<128x48xf32, #tpu.memory_space<hbm>>) target(%arg6 : memref<128x48xf32, #tpu.memory_space<vmem>>) target_semaphore(%run_scoped3A : memref<!tpu.dma_semaphore, #tpu.memory_space<semaphore_mem>>)
        %dma_wait3A_109 = arith.constant 0 : i32
        %dma_wait3A_110 = tpu.memref_slice %arg2[%add3A_82, %dma_wait3A_109] : memref<1600000x48xf32, #tpu.memory_space<hbm>> -> memref<128x48xf32, #tpu.memory_space<hbm>>
        %dma_wait3A_111 = arith.constant 0 : i32
        %dma_wait3A_112 = tpu.memref_slice %arg2[%add3A_82, %dma_wait3A_111] : memref<1600000x48xf32, #tpu.memory_space<hbm>> -> memref<128x48xf32, #tpu.memory_space<hbm>>
        tpu.wait_dma2 semaphore(%run_scoped3A : memref<!tpu.dma_semaphore, #tpu.memory_space<semaphore_mem>>) src(%dma_wait3A_112 : memref<128x48xf32, #tpu.memory_space<hbm>>) dst(%arg6 : memref<128x48xf32, #tpu.memory_space<vmem>>)
        tpu.yield
      }) : () -> ()
      %parallel_loop3A_83 = arith.constant 0 : i32
      %parallel_loop3A_84 = arith.constant 128 : i32
      %parallel_loop3A_85 = arith.constant 1 : i32
      scf.for %parallel_loop3A_105 = %parallel_loop3A_83 to %parallel_loop3A_84 step %parallel_loop3A_85  : i32 {
        %parallel_loop3A_106 = arith.constant 4 : i32
        %parallel_loop3A_107 = arith.shrsi %parallel_loop3A_105, %parallel_loop3A_106 : i32
        %parallel_loop3A_108 = arith.constant 4 : i32
        %parallel_loop3A_109 = arith.shli %parallel_loop3A_107, %parallel_loop3A_108 : i32
        %parallel_loop3A_110 = arith.subi %parallel_loop3A_105, %parallel_loop3A_109 : i32
        %parallel_loop3A_111 = vector.broadcast %parallel_loop3A_110 : i32 to vector<16x1xi32>
        %parallel_loop3A_112 = arith.constant 0 : i32
        %parallel_loop3A_113 = arith.addi %parallel_loop3A_112, %parallel_loop3A_109 : i32
        %parallel_loop3A_114 = arith.index_cast %parallel_loop3A_113 : i32 to index
        %parallel_loop3A_115 = tpu.vector_load %arg11[%parallel_loop3A_114] {strides = array<i32>} : memref<256xi32, #tpu.memory_space<vmem>>, vector<16xi32>,
        %parallel_loop3A_116 = vector.shape_cast %parallel_loop3A_115 : vector<16xi32> to vector<16xi32>
        %parallel_loop3A_117 = vector.shape_cast %parallel_loop3A_111 : vector<16x1xi32> to vector<16xi32>
        %parallel_loop3A_118 = tpu.dynamic_gather %parallel_loop3A_116[%parallel_loop3A_117] in [0] : vector<16xi32>, vector<16xi32> -> vector<16xi32>
        %parallel_loop3A_119 = arith.constant 0 : i32
        %parallel_loop3A_120 = arith.addi %parallel_loop3A_119, %parallel_loop3A_109 : i32
        %parallel_loop3A_121 = arith.index_cast %parallel_loop3A_120 : i32 to index
        %parallel_loop3A_122 = tpu.vector_load %arg12[%parallel_loop3A_121] {strides = array<i32>} : memref<256xi32, #tpu.memory_space<vmem>>, vector<16xi32>,
        %parallel_loop3A_123 = vector.shape_cast %parallel_loop3A_122 : vector<16xi32> to vector<16xi32>
        %parallel_loop3A_124 = vector.shape_cast %parallel_loop3A_111 : vector<16x1xi32> to vector<16xi32>
        %parallel_loop3A_125 = tpu.dynamic_gather %parallel_loop3A_123[%parallel_loop3A_124] in [0] : vector<16xi32>, vector<16xi32> -> vector<16xi32>
        %parallel_loop3A_126 = arith.index_cast %parallel_loop3A_105 : i32 to index
        %parallel_loop3A_127 = arith.constant 0 : index
        %parallel_loop3A_128 = tpu.vector_load %arg6[%parallel_loop3A_126, %parallel_loop3A_127] {strides = array<i32>} : memref<128x48xf32, #tpu.memory_space<vmem>>, vector<1x16xf32>,
        %parallel_loop3A_129 = vector.shape_cast %parallel_loop3A_128 : vector<1x16xf32> to vector<16xf32>
        %parallel_loop3A_130 = arith.constant 16 : i32
        %parallel_loop3A_131 = arith.muli %parallel_loop3A_105, %parallel_loop3A_130 : i32
        %parallel_loop3A_132 = arith.index_cast %parallel_loop3A_131 : i32 to index
        %parallel_loop3A_133 = tpu.vector_load %arg7[%parallel_loop3A_132] {strides = array<i32>} : memref<2048xf32, #tpu.memory_space<vmem>>, vector<16xf32>,
        %parallel_loop3A_134 = vector.shape_cast %parallel_loop3A_133 : vector<16xf32> to vector<16xf32>
        %parallel_loop3A_135 = vector.shape_cast %parallel_loop3A_129 : vector<16xf32> to vector<16xf32>
        tpu.vector_store %arg7[%parallel_loop3A_132], %parallel_loop3A_135 {strides = array<i32>} : memref<2048xf32, #tpu.memory_space<vmem>>, vector<16xf32>,
        %parallel_loop3A_136 = arith.constant 16 : i32
        %parallel_loop3A_137 = vector.broadcast %parallel_loop3A_136 : i32 to vector<16xi32>
        %parallel_loop3A_138 = arith.muli %parallel_loop3A_118, %parallel_loop3A_137 : vector<16xi32>
        %parallel_loop3A_139 = arith.addi %parallel_loop3A_138, %iota3A : vector<16xi32>
        %parallel_loop3A_140 = arith.constant 16 : i32
        %parallel_loop3A_141 = arith.muli %parallel_loop3A_105, %parallel_loop3A_140 : i32
        %parallel_loop3A_142 = arith.index_cast %parallel_loop3A_141 : i32 to index
        %parallel_loop3A_143 = tpu.vector_load %arg8[%parallel_loop3A_142] {strides = array<i32>} : memref<2048xi32, #tpu.memory_space<vmem>>, vector<16xi32>,
        %parallel_loop3A_144 = vector.shape_cast %parallel_loop3A_143 : vector<16xi32> to vector<16xi32>
        %parallel_loop3A_145 = vector.shape_cast %parallel_loop3A_139 : vector<16xi32> to vector<16xi32>
        tpu.vector_store %arg8[%parallel_loop3A_142], %parallel_loop3A_145 {strides = array<i32>} : memref<2048xi32, #tpu.memory_space<vmem>>, vector<16xi32>,
        %parallel_loop3A_146 = arith.index_cast %parallel_loop3A_105 : i32 to index
        %parallel_loop3A_147 = arith.constant 16 : index
        %parallel_loop3A_148 = tpu.vector_load %arg6[%parallel_loop3A_146, %parallel_loop3A_147] {strides = array<i32>} : memref<128x48xf32, #tpu.memory_space<vmem>>, vector<1x16xf32>,
        %parallel_loop3A_149 = vector.shape_cast %parallel_loop3A_148 : vector<1x16xf32> to vector<16xf32>
        %parallel_loop3A_150 = arith.constant 16 : i32
        %parallel_loop3A_151 = arith.muli %parallel_loop3A_105, %parallel_loop3A_150 : i32
        %parallel_loop3A_152 = arith.index_cast %parallel_loop3A_151 : i32 to index
        %parallel_loop3A_153 = tpu.vector_load %arg9[%parallel_loop3A_152] {strides = array<i32>} : memref<2048xf32, #tpu.memory_space<vmem>>, vector<16xf32>,
        %parallel_loop3A_154 = vector.shape_cast %parallel_loop3A_153 : vector<16xf32> to vector<16xf32>
        %parallel_loop3A_155 = vector.shape_cast %parallel_loop3A_149 : vector<16xf32> to vector<16xf32>
        tpu.vector_store %arg9[%parallel_loop3A_152], %parallel_loop3A_155 {strides = array<i32>} : memref<2048xf32, #tpu.memory_space<vmem>>, vector<16xf32>,
        %parallel_loop3A_156 = arith.constant 16 : i32
        %parallel_loop3A_157 = vector.broadcast %parallel_loop3A_156 : i32 to vector<16xi32>
        %parallel_loop3A_158 = arith.muli %parallel_loop3A_125, %parallel_loop3A_157 : vector<16xi32>
        %parallel_loop3A_159 = arith.addi %parallel_loop3A_158, %iota3A : vector<16xi32>
        %parallel_loop3A_160 = arith.constant 16 : i32
        %parallel_loop3A_161 = arith.muli %parallel_loop3A_105, %parallel_loop3A_160 : i32
        %parallel_loop3A_162 = arith.index_cast %parallel_loop3A_161 : i32 to index
        %parallel_loop3A_163 = tpu.vector_load %arg10[%parallel_loop3A_162] {strides = array<i32>} : memref<2048xi32, #tpu.memory_space<vmem>>, vector<16xi32>,
        %parallel_loop3A_164 = vector.shape_cast %parallel_loop3A_163 : vector<16xi32> to vector<16xi32>
        %parallel_loop3A_165 = vector.shape_cast %parallel_loop3A_159 : vector<16xi32> to vector<16xi32>
        tpu.vector_store %arg10[%parallel_loop3A_162], %parallel_loop3A_165 {strides = array<i32>} : memref<2048xi32, #tpu.memory_space<vmem>>, vector<16xi32>,
      } {sc.loop_unroll_factor = 8 : i64, sc.parallel_access}
      %dma_start3A = arith.constant 0 : i32
      %dma_start3A_86 = tpu.memref_slice %arg14[%dma_start3A] : memref<802816xf32, #tpu.memory_space<vmem_shared>> -> memref<802816xf32, #tpu.memory_space<vmem_shared>>
      tpu.enqueue_indirect_dma source(%arg7 : memref<2048xf32, #tpu.memory_space<vmem>>) target(%dma_start3A_86 : memref<802816xf32, #tpu.memory_space<vmem_shared>>) offsets(%arg8 : memref<2048xi32, #tpu.memory_space<vmem>>) semaphore(%arg13 : memref<!tpu.dma_semaphore, #tpu.memory_space<semaphore_mem>>) {add = true}
      %dma_start3A_87 = arith.constant 0 : i32
      %dma_start3A_88 = tpu.memref_slice %arg14[%dma_start3A_87] : memref<802816xf32, #tpu.memory_space<vmem_shared>> -> memref<802816xf32, #tpu.memory_space<vmem_shared>>
      tpu.enqueue_indirect_dma source(%arg9 : memref<2048xf32, #tpu.memory_space<vmem>>) target(%dma_start3A_88 : memref<802816xf32, #tpu.memory_space<vmem_shared>>) offsets(%arg10 : memref<2048xi32, #tpu.memory_space<vmem>>) semaphore(%arg13 : memref<!tpu.dma_semaphore, #tpu.memory_space<semaphore_mem>>) {add = true}
      %dma_wait3A = arith.constant 0 : i32
      %dma_wait3A_89 = tpu.memref_slice %arg14[%dma_wait3A] : memref<802816xf32, #tpu.memory_space<vmem_shared>> -> memref<802816xf32, #tpu.memory_space<vmem_shared>>
      tpu.wait_indirect_dma semaphore(%arg13 : memref<!tpu.dma_semaphore, #tpu.memory_space<semaphore_mem>>) src(%arg7 : memref<2048xf32, #tpu.memory_space<vmem>>) dst(%dma_wait3A_89 : memref<802816xf32, #tpu.memory_space<vmem_shared>>)
      %dma_wait3A_90 = arith.constant 0 : i32
      %dma_wait3A_91 = tpu.memref_slice %arg14[%dma_wait3A_90] : memref<802816xf32, #tpu.memory_space<vmem_shared>> -> memref<802816xf32, #tpu.memory_space<vmem_shared>>
      tpu.wait_indirect_dma semaphore(%arg13 : memref<!tpu.dma_semaphore, #tpu.memory_space<semaphore_mem>>) src(%arg9 : memref<2048xf32, #tpu.memory_space<vmem>>) dst(%dma_wait3A_91 : memref<802816xf32, #tpu.memory_space<vmem_shared>>)
      %add3A_92 = arith.constant 128 : i32
      %add3A_93 = arith.addi %mul3A_80, %add3A_92 : i32
      "tpu.region"() ({
        %run_scoped3A = tpu.sem_alloc : memref<!tpu.dma_semaphore, #tpu.memory_space<semaphore_mem>>
        %dma_start3A_105 = arith.constant 0 : i32
        %dma_start3A_106 = tpu.memref_slice %arg2[%add3A_93, %dma_start3A_105] : memref<1600000x48xf32, #tpu.memory_space<hbm>> -> memref<128x48xf32, #tpu.memory_space<hbm>>
        %dma_start3A_107 = arith.constant 0 : i32
        %dma_start3A_108 = tpu.memref_slice %arg2[%add3A_93, %dma_start3A_107] : memref<1600000x48xf32, #tpu.memory_space<hbm>> -> memref<128x48xf32, #tpu.memory_space<hbm>>
        tpu.enqueue_dma source(%dma_start3A_108 : memref<128x48xf32, #tpu.memory_space<hbm>>) target(%arg6 : memref<128x48xf32, #tpu.memory_space<vmem>>) target_semaphore(%run_scoped3A : memref<!tpu.dma_semaphore, #tpu.memory_space<semaphore_mem>>)
        %dma_wait3A_109 = arith.constant 0 : i32
        %dma_wait3A_110 = tpu.memref_slice %arg2[%add3A_93, %dma_wait3A_109] : memref<1600000x48xf32, #tpu.memory_space<hbm>> -> memref<128x48xf32, #tpu.memory_space<hbm>>
        %dma_wait3A_111 = arith.constant 0 : i32
        %dma_wait3A_112 = tpu.memref_slice %arg2[%add3A_93, %dma_wait3A_111] : memref<1600000x48xf32, #tpu.memory_space<hbm>> -> memref<128x48xf32, #tpu.memory_space<hbm>>
        tpu.wait_dma2 semaphore(%run_scoped3A : memref<!tpu.dma_semaphore, #tpu.memory_space<semaphore_mem>>) src(%dma_wait3A_112 : memref<128x48xf32, #tpu.memory_space<hbm>>) dst(%arg6 : memref<128x48xf32, #tpu.memory_space<vmem>>)
        tpu.yield
      }) : () -> ()
      %parallel_loop3A_94 = arith.constant 0 : i32
      %parallel_loop3A_95 = arith.constant 128 : i32
      %parallel_loop3A_96 = arith.constant 1 : i32
      scf.for %parallel_loop3A_105 = %parallel_loop3A_94 to %parallel_loop3A_95 step %parallel_loop3A_96  : i32 {
        %parallel_loop3A_106 = arith.constant 4 : i32
        %parallel_loop3A_107 = arith.shrsi %parallel_loop3A_105, %parallel_loop3A_106 : i32
        %parallel_loop3A_108 = arith.constant 4 : i32
        %parallel_loop3A_109 = arith.shli %parallel_loop3A_107, %parallel_loop3A_108 : i32
        %parallel_loop3A_110 = arith.subi %parallel_loop3A_105, %parallel_loop3A_109 : i32
        %parallel_loop3A_111 = vector.broadcast %parallel_loop3A_110 : i32 to vector<16x1xi32>
        %parallel_loop3A_112 = arith.constant 128 : i32
        %parallel_loop3A_113 = arith.addi %parallel_loop3A_112, %parallel_loop3A_109 : i32
        %parallel_loop3A_114 = arith.index_cast %parallel_loop3A_113 : i32 to index
        %parallel_loop3A_115 = tpu.vector_load %arg11[%parallel_loop3A_114] {strides = array<i32>} : memref<256xi32, #tpu.memory_space<vmem>>, vector<16xi32>,
        %parallel_loop3A_116 = vector.shape_cast %parallel_loop3A_115 : vector<16xi32> to vector<16xi32>
        %parallel_loop3A_117 = vector.shape_cast %parallel_loop3A_111 : vector<16x1xi32> to vector<16xi32>
        %parallel_loop3A_118 = tpu.dynamic_gather %parallel_loop3A_116[%parallel_loop3A_117] in [0] : vector<16xi32>, vector<16xi32> -> vector<16xi32>
        %parallel_loop3A_119 = arith.constant 128 : i32
        %parallel_loop3A_120 = arith.addi %parallel_loop3A_119, %parallel_loop3A_109 : i32
        %parallel_loop3A_121 = arith.index_cast %parallel_loop3A_120 : i32 to index
        %parallel_loop3A_122 = tpu.vector_load %arg12[%parallel_loop3A_121] {strides = array<i32>} : memref<256xi32, #tpu.memory_space<vmem>>, vector<16xi32>,
        %parallel_loop3A_123 = vector.shape_cast %parallel_loop3A_122 : vector<16xi32> to vector<16xi32>
        %parallel_loop3A_124 = vector.shape_cast %parallel_loop3A_111 : vector<16x1xi32> to vector<16xi32>
        %parallel_loop3A_125 = tpu.dynamic_gather %parallel_loop3A_123[%parallel_loop3A_124] in [0] : vector<16xi32>, vector<16xi32> -> vector<16xi32>
        %parallel_loop3A_126 = arith.index_cast %parallel_loop3A_105 : i32 to index
        %parallel_loop3A_127 = arith.constant 0 : index
        %parallel_loop3A_128 = tpu.vector_load %arg6[%parallel_loop3A_126, %parallel_loop3A_127] {strides = array<i32>} : memref<128x48xf32, #tpu.memory_space<vmem>>, vector<1x16xf32>,
        %parallel_loop3A_129 = vector.shape_cast %parallel_loop3A_128 : vector<1x16xf32> to vector<16xf32>
        %parallel_loop3A_130 = arith.constant 16 : i32
        %parallel_loop3A_131 = arith.muli %parallel_loop3A_105, %parallel_loop3A_130 : i32
        %parallel_loop3A_132 = arith.index_cast %parallel_loop3A_131 : i32 to index
        %parallel_loop3A_133 = tpu.vector_load %arg7[%parallel_loop3A_132] {strides = array<i32>} : memref<2048xf32, #tpu.memory_space<vmem>>, vector<16xf32>,
        %parallel_loop3A_134 = vector.shape_cast %parallel_loop3A_133 : vector<16xf32> to vector<16xf32>
        %parallel_loop3A_135 = vector.shape_cast %parallel_loop3A_129 : vector<16xf32> to vector<16xf32>
        tpu.vector_store %arg7[%parallel_loop3A_132], %parallel_loop3A_135 {strides = array<i32>} : memref<2048xf32, #tpu.memory_space<vmem>>, vector<16xf32>,
        %parallel_loop3A_136 = arith.constant 16 : i32
        %parallel_loop3A_137 = vector.broadcast %parallel_loop3A_136 : i32 to vector<16xi32>
        %parallel_loop3A_138 = arith.muli %parallel_loop3A_118, %parallel_loop3A_137 : vector<16xi32>
        %parallel_loop3A_139 = arith.addi %parallel_loop3A_138, %iota3A : vector<16xi32>
        %parallel_loop3A_140 = arith.constant 16 : i32
        %parallel_loop3A_141 = arith.muli %parallel_loop3A_105, %parallel_loop3A_140 : i32
        %parallel_loop3A_142 = arith.index_cast %parallel_loop3A_141 : i32 to index
        %parallel_loop3A_143 = tpu.vector_load %arg8[%parallel_loop3A_142] {strides = array<i32>} : memref<2048xi32, #tpu.memory_space<vmem>>, vector<16xi32>,
        %parallel_loop3A_144 = vector.shape_cast %parallel_loop3A_143 : vector<16xi32> to vector<16xi32>
        %parallel_loop3A_145 = vector.shape_cast %parallel_loop3A_139 : vector<16xi32> to vector<16xi32>
        tpu.vector_store %arg8[%parallel_loop3A_142], %parallel_loop3A_145 {strides = array<i32>} : memref<2048xi32, #tpu.memory_space<vmem>>, vector<16xi32>,
        %parallel_loop3A_146 = arith.index_cast %parallel_loop3A_105 : i32 to index
        %parallel_loop3A_147 = arith.constant 16 : index
        %parallel_loop3A_148 = tpu.vector_load %arg6[%parallel_loop3A_146, %parallel_loop3A_147] {strides = array<i32>} : memref<128x48xf32, #tpu.memory_space<vmem>>, vector<1x16xf32>,
        %parallel_loop3A_149 = vector.shape_cast %parallel_loop3A_148 : vector<1x16xf32> to vector<16xf32>
        %parallel_loop3A_150 = arith.constant 16 : i32
        %parallel_loop3A_151 = arith.muli %parallel_loop3A_105, %parallel_loop3A_150 : i32
        %parallel_loop3A_152 = arith.index_cast %parallel_loop3A_151 : i32 to index
        %parallel_loop3A_153 = tpu.vector_load %arg9[%parallel_loop3A_152] {strides = array<i32>} : memref<2048xf32, #tpu.memory_space<vmem>>, vector<16xf32>,
        %parallel_loop3A_154 = vector.shape_cast %parallel_loop3A_153 : vector<16xf32> to vector<16xf32>
        %parallel_loop3A_155 = vector.shape_cast %parallel_loop3A_149 : vector<16xf32> to vector<16xf32>
        tpu.vector_store %arg9[%parallel_loop3A_152], %parallel_loop3A_155 {strides = array<i32>} : memref<2048xf32, #tpu.memory_space<vmem>>, vector<16xf32>,
        %parallel_loop3A_156 = arith.constant 16 : i32
        %parallel_loop3A_157 = vector.broadcast %parallel_loop3A_156 : i32 to vector<16xi32>
        %parallel_loop3A_158 = arith.muli %parallel_loop3A_125, %parallel_loop3A_157 : vector<16xi32>
        %parallel_loop3A_159 = arith.addi %parallel_loop3A_158, %iota3A : vector<16xi32>
        %parallel_loop3A_160 = arith.constant 16 : i32
        %parallel_loop3A_161 = arith.muli %parallel_loop3A_105, %parallel_loop3A_160 : i32
        %parallel_loop3A_162 = arith.index_cast %parallel_loop3A_161 : i32 to index
        %parallel_loop3A_163 = tpu.vector_load %arg10[%parallel_loop3A_162] {strides = array<i32>} : memref<2048xi32, #tpu.memory_space<vmem>>, vector<16xi32>,
        %parallel_loop3A_164 = vector.shape_cast %parallel_loop3A_163 : vector<16xi32> to vector<16xi32>
        %parallel_loop3A_165 = vector.shape_cast %parallel_loop3A_159 : vector<16xi32> to vector<16xi32>
        tpu.vector_store %arg10[%parallel_loop3A_162], %parallel_loop3A_165 {strides = array<i32>} : memref<2048xi32, #tpu.memory_space<vmem>>, vector<16xi32>,
      } {sc.loop_unroll_factor = 8 : i64, sc.parallel_access}
      %dma_start3A_97 = arith.constant 0 : i32
      %dma_start3A_98 = tpu.memref_slice %arg14[%dma_start3A_97] : memref<802816xf32, #tpu.memory_space<vmem_shared>> -> memref<802816xf32, #tpu.memory_space<vmem_shared>>
      tpu.enqueue_indirect_dma source(%arg7 : memref<2048xf32, #tpu.memory_space<vmem>>) target(%dma_start3A_98 : memref<802816xf32, #tpu.memory_space<vmem_shared>>) offsets(%arg8 : memref<2048xi32, #tpu.memory_space<vmem>>) semaphore(%arg13 : memref<!tpu.dma_semaphore, #tpu.memory_space<semaphore_mem>>) {add = true}
      %dma_start3A_99 = arith.constant 0 : i32
      %dma_start3A_100 = tpu.memref_slice %arg14[%dma_start3A_99] : memref<802816xf32, #tpu.memory_space<vmem_shared>> -> memref<802816xf32, #tpu.memory_space<vmem_shared>>
      tpu.enqueue_indirect_dma source(%arg9 : memref<2048xf32, #tpu.memory_space<vmem>>) target(%dma_start3A_100 : memref<802816xf32, #tpu.memory_space<vmem_shared>>) offsets(%arg10 : memref<2048xi32, #tpu.memory_space<vmem>>) semaphore(%arg13 : memref<!tpu.dma_semaphore, #tpu.memory_space<semaphore_mem>>) {add = true}
      %dma_wait3A_101 = arith.constant 0 : i32
      %dma_wait3A_102 = tpu.memref_slice %arg14[%dma_wait3A_101] : memref<802816xf32, #tpu.memory_space<vmem_shared>> -> memref<802816xf32, #tpu.memory_space<vmem_shared>>
      tpu.wait_indirect_dma semaphore(%arg13 : memref<!tpu.dma_semaphore, #tpu.memory_space<semaphore_mem>>) src(%arg7 : memref<2048xf32, #tpu.memory_space<vmem>>) dst(%dma_wait3A_102 : memref<802816xf32, #tpu.memory_space<vmem_shared>>)
      %dma_wait3A_103 = arith.constant 0 : i32
      %dma_wait3A_104 = tpu.memref_slice %arg14[%dma_wait3A_103] : memref<802816xf32, #tpu.memory_space<vmem_shared>> -> memref<802816xf32, #tpu.memory_space<vmem_shared>>
      tpu.wait_indirect_dma semaphore(%arg13 : memref<!tpu.dma_semaphore, #tpu.memory_space<semaphore_mem>>) src(%arg9 : memref<2048xf32, #tpu.memory_space<vmem>>) dst(%dma_wait3A_104 : memref<802816xf32, #tpu.memory_space<vmem_shared>>)
    }
    %while3A_72 = arith.constant 1 : i32
    scf.for %while3A_77 = %while3A_70 to %while3A_66 step %while3A_72  : i32 {
      %add3A_78 = arith.addi %add3A_63, %while3A_77 : i32
      %mul3A_79 = arith.constant 256 : i32
      %mul3A_80 = arith.muli %add3A_78, %mul3A_79 : i32
      "tpu.region"() ({
        %run_scoped3A = tpu.sem_alloc : memref<!tpu.dma_semaphore, #tpu.memory_space<semaphore_mem>>
        %dma_start3A_105 = tpu.memref_slice %arg3[%mul3A_80] : memref<1600000xi32, #tpu.memory_space<hbm>> -> memref<256xi32, #tpu.memory_space<hbm>>
        %dma_start3A_106 = tpu.memref_slice %arg3[%mul3A_80] : memref<1600000xi32, #tpu.memory_space<hbm>> -> memref<256xi32, #tpu.memory_space<hbm>>
        tpu.enqueue_dma source(%dma_start3A_106 : memref<256xi32, #tpu.memory_space<hbm>>) target(%arg11 : memref<256xi32, #tpu.memory_space<vmem>>) target_semaphore(%run_scoped3A : memref<!tpu.dma_semaphore, #tpu.memory_space<semaphore_mem>>)
        %dma_wait3A_107 = tpu.memref_slice %arg3[%mul3A_80] : memref<1600000xi32, #tpu.memory_space<hbm>> -> memref<256xi32, #tpu.memory_space<hbm>>
        %dma_wait3A_108 = tpu.memref_slice %arg3[%mul3A_80] : memref<1600000xi32, #tpu.memory_space<hbm>> -> memref<256xi32, #tpu.memory_space<hbm>>
        tpu.wait_dma2 semaphore(%run_scoped3A : memref<!tpu.dma_semaphore, #tpu.memory_space<semaphore_mem>>) src(%dma_wait3A_108 : memref<256xi32, #tpu.memory_space<hbm>>) dst(%arg11 : memref<256xi32, #tpu.memory_space<vmem>>)
        tpu.yield
      }) : () -> ()
      "tpu.region"() ({
        %run_scoped3A = tpu.sem_alloc : memref<!tpu.dma_semaphore, #tpu.memory_space<semaphore_mem>>
        %dma_start3A_105 = tpu.memref_slice %arg4[%mul3A_80] : memref<1600000xi32, #tpu.memory_space<hbm>> -> memref<256xi32, #tpu.memory_space<hbm>>
        %dma_start3A_106 = tpu.memref_slice %arg4[%mul3A_80] : memref<1600000xi32, #tpu.memory_space<hbm>> -> memref<256xi32, #tpu.memory_space<hbm>>
        tpu.enqueue_dma source(%dma_start3A_106 : memref<256xi32, #tpu.memory_space<hbm>>) target(%arg12 : memref<256xi32, #tpu.memory_space<vmem>>) target_semaphore(%run_scoped3A : memref<!tpu.dma_semaphore, #tpu.memory_space<semaphore_mem>>)
        %dma_wait3A_107 = tpu.memref_slice %arg4[%mul3A_80] : memref<1600000xi32, #tpu.memory_space<hbm>> -> memref<256xi32, #tpu.memory_space<hbm>>
        %dma_wait3A_108 = tpu.memref_slice %arg4[%mul3A_80] : memref<1600000xi32, #tpu.memory_space<hbm>> -> memref<256xi32, #tpu.memory_space<hbm>>
        tpu.wait_dma2 semaphore(%run_scoped3A : memref<!tpu.dma_semaphore, #tpu.memory_space<semaphore_mem>>) src(%dma_wait3A_108 : memref<256xi32, #tpu.memory_space<hbm>>) dst(%arg12 : memref<256xi32, #tpu.memory_space<vmem>>)
        tpu.yield
      }) : () -> ()
      %add3A_81 = arith.constant 0 : i32
      %add3A_82 = arith.addi %mul3A_80, %add3A_81 : i32
      "tpu.region"() ({
        %run_scoped3A = tpu.sem_alloc : memref<!tpu.dma_semaphore, #tpu.memory_space<semaphore_mem>>
        %dma_start3A_105 = arith.constant 0 : i32
        %dma_start3A_106 = tpu.memref_slice %arg2[%add3A_82, %dma_start3A_105] : memref<1600000x48xf32, #tpu.memory_space<hbm>> -> memref<128x48xf32, #tpu.memory_space<hbm>>
        %dma_start3A_107 = arith.constant 0 : i32
        %dma_start3A_108 = tpu.memref_slice %arg2[%add3A_82, %dma_start3A_107] : memref<1600000x48xf32, #tpu.memory_space<hbm>> -> memref<128x48xf32, #tpu.memory_space<hbm>>
        tpu.enqueue_dma source(%dma_start3A_108 : memref<128x48xf32, #tpu.memory_space<hbm>>) target(%arg6 : memref<128x48xf32, #tpu.memory_space<vmem>>) target_semaphore(%run_scoped3A : memref<!tpu.dma_semaphore, #tpu.memory_space<semaphore_mem>>)
        %dma_wait3A_109 = arith.constant 0 : i32
        %dma_wait3A_110 = tpu.memref_slice %arg2[%add3A_82, %dma_wait3A_109] : memref<1600000x48xf32, #tpu.memory_space<hbm>> -> memref<128x48xf32, #tpu.memory_space<hbm>>
        %dma_wait3A_111 = arith.constant 0 : i32
        %dma_wait3A_112 = tpu.memref_slice %arg2[%add3A_82, %dma_wait3A_111] : memref<1600000x48xf32, #tpu.memory_space<hbm>> -> memref<128x48xf32, #tpu.memory_space<hbm>>
        tpu.wait_dma2 semaphore(%run_scoped3A : memref<!tpu.dma_semaphore, #tpu.memory_space<semaphore_mem>>) src(%dma_wait3A_112 : memref<128x48xf32, #tpu.memory_space<hbm>>) dst(%arg6 : memref<128x48xf32, #tpu.memory_space<vmem>>)
        tpu.yield
      }) : () -> ()
      %parallel_loop3A_83 = arith.constant 0 : i32
      %parallel_loop3A_84 = arith.constant 128 : i32
      %parallel_loop3A_85 = arith.constant 1 : i32
      scf.for %parallel_loop3A_105 = %parallel_loop3A_83 to %parallel_loop3A_84 step %parallel_loop3A_85  : i32 {
        %parallel_loop3A_106 = arith.constant 4 : i32
        %parallel_loop3A_107 = arith.shrsi %parallel_loop3A_105, %parallel_loop3A_106 : i32
        %parallel_loop3A_108 = arith.constant 4 : i32
        %parallel_loop3A_109 = arith.shli %parallel_loop3A_107, %parallel_loop3A_108 : i32
        %parallel_loop3A_110 = arith.subi %parallel_loop3A_105, %parallel_loop3A_109 : i32
        %parallel_loop3A_111 = vector.broadcast %parallel_loop3A_110 : i32 to vector<16x1xi32>
        %parallel_loop3A_112 = arith.constant 0 : i32
        %parallel_loop3A_113 = arith.addi %parallel_loop3A_112, %parallel_loop3A_109 : i32
        %parallel_loop3A_114 = arith.index_cast %parallel_loop3A_113 : i32 to index
        %parallel_loop3A_115 = tpu.vector_load %arg11[%parallel_loop3A_114] {strides = array<i32>} : memref<256xi32, #tpu.memory_space<vmem>>, vector<16xi32>,
        %parallel_loop3A_116 = vector.shape_cast %parallel_loop3A_115 : vector<16xi32> to vector<16xi32>
        %parallel_loop3A_117 = vector.shape_cast %parallel_loop3A_111 : vector<16x1xi32> to vector<16xi32>
        %parallel_loop3A_118 = tpu.dynamic_gather %parallel_loop3A_116[%parallel_loop3A_117] in [0] : vector<16xi32>, vector<16xi32> -> vector<16xi32>
        %parallel_loop3A_119 = arith.constant 0 : i32
        %parallel_loop3A_120 = arith.addi %parallel_loop3A_119, %parallel_loop3A_109 : i32
        %parallel_loop3A_121 = arith.index_cast %parallel_loop3A_120 : i32 to index
        %parallel_loop3A_122 = tpu.vector_load %arg12[%parallel_loop3A_121] {strides = array<i32>} : memref<256xi32, #tpu.memory_space<vmem>>, vector<16xi32>,
        %parallel_loop3A_123 = vector.shape_cast %parallel_loop3A_122 : vector<16xi32> to vector<16xi32>
        %parallel_loop3A_124 = vector.shape_cast %parallel_loop3A_111 : vector<16x1xi32> to vector<16xi32>
        %parallel_loop3A_125 = tpu.dynamic_gather %parallel_loop3A_123[%parallel_loop3A_124] in [0] : vector<16xi32>, vector<16xi32> -> vector<16xi32>
        %parallel_loop3A_126 = arith.index_cast %parallel_loop3A_105 : i32 to index
        %parallel_loop3A_127 = arith.constant 0 : index
        %parallel_loop3A_128 = tpu.vector_load %arg6[%parallel_loop3A_126, %parallel_loop3A_127] {strides = array<i32>} : memref<128x48xf32, #tpu.memory_space<vmem>>, vector<1x16xf32>,
        %parallel_loop3A_129 = vector.shape_cast %parallel_loop3A_128 : vector<1x16xf32> to vector<16xf32>
        %parallel_loop3A_130 = arith.constant 16 : i32
        %parallel_loop3A_131 = arith.muli %parallel_loop3A_105, %parallel_loop3A_130 : i32
        %parallel_loop3A_132 = arith.index_cast %parallel_loop3A_131 : i32 to index
        %parallel_loop3A_133 = tpu.vector_load %arg7[%parallel_loop3A_132] {strides = array<i32>} : memref<2048xf32, #tpu.memory_space<vmem>>, vector<16xf32>,
        %parallel_loop3A_134 = vector.shape_cast %parallel_loop3A_133 : vector<16xf32> to vector<16xf32>
        %parallel_loop3A_135 = vector.shape_cast %parallel_loop3A_129 : vector<16xf32> to vector<16xf32>
        tpu.vector_store %arg7[%parallel_loop3A_132], %parallel_loop3A_135 {strides = array<i32>} : memref<2048xf32, #tpu.memory_space<vmem>>, vector<16xf32>,
        %parallel_loop3A_136 = arith.constant 16 : i32
        %parallel_loop3A_137 = vector.broadcast %parallel_loop3A_136 : i32 to vector<16xi32>
        %parallel_loop3A_138 = arith.muli %parallel_loop3A_118, %parallel_loop3A_137 : vector<16xi32>
        %parallel_loop3A_139 = arith.addi %parallel_loop3A_138, %iota3A : vector<16xi32>
        %parallel_loop3A_140 = arith.constant 16 : i32
        %parallel_loop3A_141 = arith.muli %parallel_loop3A_105, %parallel_loop3A_140 : i32
        %parallel_loop3A_142 = arith.index_cast %parallel_loop3A_141 : i32 to index
        %parallel_loop3A_143 = tpu.vector_load %arg8[%parallel_loop3A_142] {strides = array<i32>} : memref<2048xi32, #tpu.memory_space<vmem>>, vector<16xi32>,
        %parallel_loop3A_144 = vector.shape_cast %parallel_loop3A_143 : vector<16xi32> to vector<16xi32>
        %parallel_loop3A_145 = vector.shape_cast %parallel_loop3A_139 : vector<16xi32> to vector<16xi32>
        tpu.vector_store %arg8[%parallel_loop3A_142], %parallel_loop3A_145 {strides = array<i32>} : memref<2048xi32, #tpu.memory_space<vmem>>, vector<16xi32>,
        %parallel_loop3A_146 = arith.index_cast %parallel_loop3A_105 : i32 to index
        %parallel_loop3A_147 = arith.constant 16 : index
        %parallel_loop3A_148 = tpu.vector_load %arg6[%parallel_loop3A_146, %parallel_loop3A_147] {strides = array<i32>} : memref<128x48xf32, #tpu.memory_space<vmem>>, vector<1x16xf32>,
        %parallel_loop3A_149 = vector.shape_cast %parallel_loop3A_148 : vector<1x16xf32> to vector<16xf32>
        %parallel_loop3A_150 = arith.constant 16 : i32
        %parallel_loop3A_151 = arith.muli %parallel_loop3A_105, %parallel_loop3A_150 : i32
        %parallel_loop3A_152 = arith.index_cast %parallel_loop3A_151 : i32 to index
        %parallel_loop3A_153 = tpu.vector_load %arg9[%parallel_loop3A_152] {strides = array<i32>} : memref<2048xf32, #tpu.memory_space<vmem>>, vector<16xf32>,
        %parallel_loop3A_154 = vector.shape_cast %parallel_loop3A_153 : vector<16xf32> to vector<16xf32>
        %parallel_loop3A_155 = vector.shape_cast %parallel_loop3A_149 : vector<16xf32> to vector<16xf32>
        tpu.vector_store %arg9[%parallel_loop3A_152], %parallel_loop3A_155 {strides = array<i32>} : memref<2048xf32, #tpu.memory_space<vmem>>, vector<16xf32>,
        %parallel_loop3A_156 = arith.constant 16 : i32
        %parallel_loop3A_157 = vector.broadcast %parallel_loop3A_156 : i32 to vector<16xi32>
        %parallel_loop3A_158 = arith.muli %parallel_loop3A_125, %parallel_loop3A_157 : vector<16xi32>
        %parallel_loop3A_159 = arith.addi %parallel_loop3A_158, %iota3A : vector<16xi32>
        %parallel_loop3A_160 = arith.constant 16 : i32
        %parallel_loop3A_161 = arith.muli %parallel_loop3A_105, %parallel_loop3A_160 : i32
        %parallel_loop3A_162 = arith.index_cast %parallel_loop3A_161 : i32 to index
        %parallel_loop3A_163 = tpu.vector_load %arg10[%parallel_loop3A_162] {strides = array<i32>} : memref<2048xi32, #tpu.memory_space<vmem>>, vector<16xi32>,
        %parallel_loop3A_164 = vector.shape_cast %parallel_loop3A_163 : vector<16xi32> to vector<16xi32>
        %parallel_loop3A_165 = vector.shape_cast %parallel_loop3A_159 : vector<16xi32> to vector<16xi32>
        tpu.vector_store %arg10[%parallel_loop3A_162], %parallel_loop3A_165 {strides = array<i32>} : memref<2048xi32, #tpu.memory_space<vmem>>, vector<16xi32>,
      } {sc.loop_unroll_factor = 8 : i64, sc.parallel_access}
      %dma_start3A = arith.constant 0 : i32
      %dma_start3A_86 = tpu.memref_slice %arg14[%dma_start3A] : memref<802816xf32, #tpu.memory_space<vmem_shared>> -> memref<802816xf32, #tpu.memory_space<vmem_shared>>
      tpu.enqueue_indirect_dma source(%arg7 : memref<2048xf32, #tpu.memory_space<vmem>>) target(%dma_start3A_86 : memref<802816xf32, #tpu.memory_space<vmem_shared>>) offsets(%arg8 : memref<2048xi32, #tpu.memory_space<vmem>>) semaphore(%arg13 : memref<!tpu.dma_semaphore, #tpu.memory_space<semaphore_mem>>) {add = true}
      %dma_start3A_87 = arith.constant 0 : i32
      %dma_start3A_88 = tpu.memref_slice %arg14[%dma_start3A_87] : memref<802816xf32, #tpu.memory_space<vmem_shared>> -> memref<802816xf32, #tpu.memory_space<vmem_shared>>
      tpu.enqueue_indirect_dma source(%arg9 : memref<2048xf32, #tpu.memory_space<vmem>>) target(%dma_start3A_88 : memref<802816xf32, #tpu.memory_space<vmem_shared>>) offsets(%arg10 : memref<2048xi32, #tpu.memory_space<vmem>>) semaphore(%arg13 : memref<!tpu.dma_semaphore, #tpu.memory_space<semaphore_mem>>) {add = true}
      %dma_wait3A = arith.constant 0 : i32
      %dma_wait3A_89 = tpu.memref_slice %arg14[%dma_wait3A] : memref<802816xf32, #tpu.memory_space<vmem_shared>> -> memref<802816xf32, #tpu.memory_space<vmem_shared>>
      tpu.wait_indirect_dma semaphore(%arg13 : memref<!tpu.dma_semaphore, #tpu.memory_space<semaphore_mem>>) src(%arg7 : memref<2048xf32, #tpu.memory_space<vmem>>) dst(%dma_wait3A_89 : memref<802816xf32, #tpu.memory_space<vmem_shared>>)
      %dma_wait3A_90 = arith.constant 0 : i32
      %dma_wait3A_91 = tpu.memref_slice %arg14[%dma_wait3A_90] : memref<802816xf32, #tpu.memory_space<vmem_shared>> -> memref<802816xf32, #tpu.memory_space<vmem_shared>>
      tpu.wait_indirect_dma semaphore(%arg13 : memref<!tpu.dma_semaphore, #tpu.memory_space<semaphore_mem>>) src(%arg9 : memref<2048xf32, #tpu.memory_space<vmem>>) dst(%dma_wait3A_91 : memref<802816xf32, #tpu.memory_space<vmem_shared>>)
      %add3A_92 = arith.constant 128 : i32
      %add3A_93 = arith.addi %mul3A_80, %add3A_92 : i32
      "tpu.region"() ({
        %run_scoped3A = tpu.sem_alloc : memref<!tpu.dma_semaphore, #tpu.memory_space<semaphore_mem>>
        %dma_start3A_105 = arith.constant 0 : i32
        %dma_start3A_106 = tpu.memref_slice %arg2[%add3A_93, %dma_start3A_105] : memref<1600000x48xf32, #tpu.memory_space<hbm>> -> memref<128x48xf32, #tpu.memory_space<hbm>>
        %dma_start3A_107 = arith.constant 0 : i32
        %dma_start3A_108 = tpu.memref_slice %arg2[%add3A_93, %dma_start3A_107] : memref<1600000x48xf32, #tpu.memory_space<hbm>> -> memref<128x48xf32, #tpu.memory_space<hbm>>
        tpu.enqueue_dma source(%dma_start3A_108 : memref<128x48xf32, #tpu.memory_space<hbm>>) target(%arg6 : memref<128x48xf32, #tpu.memory_space<vmem>>) target_semaphore(%run_scoped3A : memref<!tpu.dma_semaphore, #tpu.memory_space<semaphore_mem>>)
        %dma_wait3A_109 = arith.constant 0 : i32
        %dma_wait3A_110 = tpu.memref_slice %arg2[%add3A_93, %dma_wait3A_109] : memref<1600000x48xf32, #tpu.memory_space<hbm>> -> memref<128x48xf32, #tpu.memory_space<hbm>>
        %dma_wait3A_111 = arith.constant 0 : i32
        %dma_wait3A_112 = tpu.memref_slice %arg2[%add3A_93, %dma_wait3A_111] : memref<1600000x48xf32, #tpu.memory_space<hbm>> -> memref<128x48xf32, #tpu.memory_space<hbm>>
        tpu.wait_dma2 semaphore(%run_scoped3A : memref<!tpu.dma_semaphore, #tpu.memory_space<semaphore_mem>>) src(%dma_wait3A_112 : memref<128x48xf32, #tpu.memory_space<hbm>>) dst(%arg6 : memref<128x48xf32, #tpu.memory_space<vmem>>)
        tpu.yield
      }) : () -> ()
      %parallel_loop3A_94 = arith.constant 0 : i32
      %parallel_loop3A_95 = arith.constant 128 : i32
      %parallel_loop3A_96 = arith.constant 1 : i32
      scf.for %parallel_loop3A_105 = %parallel_loop3A_94 to %parallel_loop3A_95 step %parallel_loop3A_96  : i32 {
        %parallel_loop3A_106 = arith.constant 4 : i32
        %parallel_loop3A_107 = arith.shrsi %parallel_loop3A_105, %parallel_loop3A_106 : i32
        %parallel_loop3A_108 = arith.constant 4 : i32
        %parallel_loop3A_109 = arith.shli %parallel_loop3A_107, %parallel_loop3A_108 : i32
        %parallel_loop3A_110 = arith.subi %parallel_loop3A_105, %parallel_loop3A_109 : i32
        %parallel_loop3A_111 = vector.broadcast %parallel_loop3A_110 : i32 to vector<16x1xi32>
        %parallel_loop3A_112 = arith.constant 128 : i32
        %parallel_loop3A_113 = arith.addi %parallel_loop3A_112, %parallel_loop3A_109 : i32
        %parallel_loop3A_114 = arith.index_cast %parallel_loop3A_113 : i32 to index
        %parallel_loop3A_115 = tpu.vector_load %arg11[%parallel_loop3A_114] {strides = array<i32>} : memref<256xi32, #tpu.memory_space<vmem>>, vector<16xi32>,
        %parallel_loop3A_116 = vector.shape_cast %parallel_loop3A_115 : vector<16xi32> to vector<16xi32>
        %parallel_loop3A_117 = vector.shape_cast %parallel_loop3A_111 : vector<16x1xi32> to vector<16xi32>
        %parallel_loop3A_118 = tpu.dynamic_gather %parallel_loop3A_116[%parallel_loop3A_117] in [0] : vector<16xi32>, vector<16xi32> -> vector<16xi32>
        %parallel_loop3A_119 = arith.constant 128 : i32
        %parallel_loop3A_120 = arith.addi %parallel_loop3A_119, %parallel_loop3A_109 : i32
        %parallel_loop3A_121 = arith.index_cast %parallel_loop3A_120 : i32 to index
        %parallel_loop3A_122 = tpu.vector_load %arg12[%parallel_loop3A_121] {strides = array<i32>} : memref<256xi32, #tpu.memory_space<vmem>>, vector<16xi32>,
        %parallel_loop3A_123 = vector.shape_cast %parallel_loop3A_122 : vector<16xi32> to vector<16xi32>
        %parallel_loop3A_124 = vector.shape_cast %parallel_loop3A_111 : vector<16x1xi32> to vector<16xi32>
        %parallel_loop3A_125 = tpu.dynamic_gather %parallel_loop3A_123[%parallel_loop3A_124] in [0] : vector<16xi32>, vector<16xi32> -> vector<16xi32>
        %parallel_loop3A_126 = arith.index_cast %parallel_loop3A_105 : i32 to index
        %parallel_loop3A_127 = arith.constant 0 : index
        %parallel_loop3A_128 = tpu.vector_load %arg6[%parallel_loop3A_126, %parallel_loop3A_127] {strides = array<i32>} : memref<128x48xf32, #tpu.memory_space<vmem>>, vector<1x16xf32>,
        %parallel_loop3A_129 = vector.shape_cast %parallel_loop3A_128 : vector<1x16xf32> to vector<16xf32>
        %parallel_loop3A_130 = arith.constant 16 : i32
        %parallel_loop3A_131 = arith.muli %parallel_loop3A_105, %parallel_loop3A_130 : i32
        %parallel_loop3A_132 = arith.index_cast %parallel_loop3A_131 : i32 to index
        %parallel_loop3A_133 = tpu.vector_load %arg7[%parallel_loop3A_132] {strides = array<i32>} : memref<2048xf32, #tpu.memory_space<vmem>>, vector<16xf32>,
        %parallel_loop3A_134 = vector.shape_cast %parallel_loop3A_133 : vector<16xf32> to vector<16xf32>
        %parallel_loop3A_135 = vector.shape_cast %parallel_loop3A_129 : vector<16xf32> to vector<16xf32>
        tpu.vector_store %arg7[%parallel_loop3A_132], %parallel_loop3A_135 {strides = array<i32>} : memref<2048xf32, #tpu.memory_space<vmem>>, vector<16xf32>,
        %parallel_loop3A_136 = arith.constant 16 : i32
        %parallel_loop3A_137 = vector.broadcast %parallel_loop3A_136 : i32 to vector<16xi32>
        %parallel_loop3A_138 = arith.muli %parallel_loop3A_118, %parallel_loop3A_137 : vector<16xi32>
        %parallel_loop3A_139 = arith.addi %parallel_loop3A_138, %iota3A : vector<16xi32>
        %parallel_loop3A_140 = arith.constant 16 : i32
        %parallel_loop3A_141 = arith.muli %parallel_loop3A_105, %parallel_loop3A_140 : i32
        %parallel_loop3A_142 = arith.index_cast %parallel_loop3A_141 : i32 to index
        %parallel_loop3A_143 = tpu.vector_load %arg8[%parallel_loop3A_142] {strides = array<i32>} : memref<2048xi32, #tpu.memory_space<vmem>>, vector<16xi32>,
        %parallel_loop3A_144 = vector.shape_cast %parallel_loop3A_143 : vector<16xi32> to vector<16xi32>
        %parallel_loop3A_145 = vector.shape_cast %parallel_loop3A_139 : vector<16xi32> to vector<16xi32>
        tpu.vector_store %arg8[%parallel_loop3A_142], %parallel_loop3A_145 {strides = array<i32>} : memref<2048xi32, #tpu.memory_space<vmem>>, vector<16xi32>,
        %parallel_loop3A_146 = arith.index_cast %parallel_loop3A_105 : i32 to index
        %parallel_loop3A_147 = arith.constant 16 : index
        %parallel_loop3A_148 = tpu.vector_load %arg6[%parallel_loop3A_146, %parallel_loop3A_147] {strides = array<i32>} : memref<128x48xf32, #tpu.memory_space<vmem>>, vector<1x16xf32>,
        %parallel_loop3A_149 = vector.shape_cast %parallel_loop3A_148 : vector<1x16xf32> to vector<16xf32>
        %parallel_loop3A_150 = arith.constant 16 : i32
        %parallel_loop3A_151 = arith.muli %parallel_loop3A_105, %parallel_loop3A_150 : i32
        %parallel_loop3A_152 = arith.index_cast %parallel_loop3A_151 : i32 to index
        %parallel_loop3A_153 = tpu.vector_load %arg9[%parallel_loop3A_152] {strides = array<i32>} : memref<2048xf32, #tpu.memory_space<vmem>>, vector<16xf32>,
        %parallel_loop3A_154 = vector.shape_cast %parallel_loop3A_153 : vector<16xf32> to vector<16xf32>
        %parallel_loop3A_155 = vector.shape_cast %parallel_loop3A_149 : vector<16xf32> to vector<16xf32>
        tpu.vector_store %arg9[%parallel_loop3A_152], %parallel_loop3A_155 {strides = array<i32>} : memref<2048xf32, #tpu.memory_space<vmem>>, vector<16xf32>,
        %parallel_loop3A_156 = arith.constant 16 : i32
        %parallel_loop3A_157 = vector.broadcast %parallel_loop3A_156 : i32 to vector<16xi32>
        %parallel_loop3A_158 = arith.muli %parallel_loop3A_125, %parallel_loop3A_157 : vector<16xi32>
        %parallel_loop3A_159 = arith.addi %parallel_loop3A_158, %iota3A : vector<16xi32>
        %parallel_loop3A_160 = arith.constant 16 : i32
        %parallel_loop3A_161 = arith.muli %parallel_loop3A_105, %parallel_loop3A_160 : i32
        %parallel_loop3A_162 = arith.index_cast %parallel_loop3A_161 : i32 to index
        %parallel_loop3A_163 = tpu.vector_load %arg10[%parallel_loop3A_162] {strides = array<i32>} : memref<2048xi32, #tpu.memory_space<vmem>>, vector<16xi32>,
        %parallel_loop3A_164 = vector.shape_cast %parallel_loop3A_163 : vector<16xi32> to vector<16xi32>
        %parallel_loop3A_165 = vector.shape_cast %parallel_loop3A_159 : vector<16xi32> to vector<16xi32>
        tpu.vector_store %arg10[%parallel_loop3A_162], %parallel_loop3A_165 {strides = array<i32>} : memref<2048xi32, #tpu.memory_space<vmem>>, vector<16xi32>,
      } {sc.loop_unroll_factor = 8 : i64, sc.parallel_access}
      %dma_start3A_97 = arith.constant 0 : i32
      %dma_start3A_98 = tpu.memref_slice %arg14[%dma_start3A_97] : memref<802816xf32, #tpu.memory_space<vmem_shared>> -> memref<802816xf32, #tpu.memory_space<vmem_shared>>
      tpu.enqueue_indirect_dma source(%arg7 : memref<2048xf32, #tpu.memory_space<vmem>>) target(%dma_start3A_98 : memref<802816xf32, #tpu.memory_space<vmem_shared>>) offsets(%arg8 : memref<2048xi32, #tpu.memory_space<vmem>>) semaphore(%arg13 : memref<!tpu.dma_semaphore, #tpu.memory_space<semaphore_mem>>) {add = true}
      %dma_start3A_99 = arith.constant 0 : i32
      %dma_start3A_100 = tpu.memref_slice %arg14[%dma_start3A_99] : memref<802816xf32, #tpu.memory_space<vmem_shared>> -> memref<802816xf32, #tpu.memory_space<vmem_shared>>
      tpu.enqueue_indirect_dma source(%arg9 : memref<2048xf32, #tpu.memory_space<vmem>>) target(%dma_start3A_100 : memref<802816xf32, #tpu.memory_space<vmem_shared>>) offsets(%arg10 : memref<2048xi32, #tpu.memory_space<vmem>>) semaphore(%arg13 : memref<!tpu.dma_semaphore, #tpu.memory_space<semaphore_mem>>) {add = true}
      %dma_wait3A_101 = arith.constant 0 : i32
      %dma_wait3A_102 = tpu.memref_slice %arg14[%dma_wait3A_101] : memref<802816xf32, #tpu.memory_space<vmem_shared>> -> memref<802816xf32, #tpu.memory_space<vmem_shared>>
      tpu.wait_indirect_dma semaphore(%arg13 : memref<!tpu.dma_semaphore, #tpu.memory_space<semaphore_mem>>) src(%arg7 : memref<2048xf32, #tpu.memory_space<vmem>>) dst(%dma_wait3A_102 : memref<802816xf32, #tpu.memory_space<vmem_shared>>)
      %dma_wait3A_103 = arith.constant 0 : i32
      %dma_wait3A_104 = tpu.memref_slice %arg14[%dma_wait3A_103] : memref<802816xf32, #tpu.memory_space<vmem_shared>> -> memref<802816xf32, #tpu.memory_space<vmem_shared>>
      tpu.wait_indirect_dma semaphore(%arg13 : memref<!tpu.dma_semaphore, #tpu.memory_space<semaphore_mem>>) src(%arg9 : memref<2048xf32, #tpu.memory_space<vmem>>) dst(%dma_wait3A_104 : memref<802816xf32, #tpu.memory_space<vmem_shared>>)
    }
    %barrier3A_73 = arith.constant 0 : index
    tpu.barrier barrier_id(%barrier3A_73)
    %mul3A_74 = arith.constant 802816 : i32
    %mul3A_75 = arith.muli %arg0, %mul3A_74 : i32
    %add3A_76 = arith.addi %mul3A_75, %mul3A_5 : i32
    "tpu.region"() ({
      %run_scoped3A = tpu.sem_alloc : memref<!tpu.dma_semaphore, #tpu.memory_space<semaphore_mem>>
      %dma_start3A = tpu.memref_slice %arg5[%add3A_76] : memref<1605632xf32, #tpu.memory_space<hbm>> -> memref<50176xf32, #tpu.memory_space<hbm>>
      %dma_start3A_77 = tpu.memref_slice %arg14[%mul3A_5] : memref<802816xf32, #tpu.memory_space<vmem_shared>> -> memref<50176xf32, #tpu.memory_space<vmem_shared>>
      tpu.enqueue_dma source(%dma_start3A_77 : memref<50176xf32, #tpu.memory_space<vmem_shared>>) target(%dma_start3A : memref<50176xf32, #tpu.memory_space<hbm>>) target_semaphore(%run_scoped3A : memref<!tpu.dma_semaphore, #tpu.memory_space<semaphore_mem>>)
      %dma_wait3A = tpu.memref_slice %arg5[%add3A_76] : memref<1605632xf32, #tpu.memory_space<hbm>> -> memref<50176xf32, #tpu.memory_space<hbm>>
      %dma_wait3A_78 = tpu.memref_slice %arg14[%mul3A_5] : memref<802816xf32, #tpu.memory_space<vmem_shared>> -> memref<50176xf32, #tpu.memory_space<vmem_shared>>
      tpu.wait_dma2 semaphore(%run_scoped3A : memref<!tpu.dma_semaphore, #tpu.memory_space<semaphore_mem>>) src(%dma_wait3A_78 : memref<50176xf32, #tpu.memory_space<vmem_shared>>) dst(%dma_wait3A : memref<50176xf32, #tpu.memory_space<hbm>>)
      tpu.yield
    }) : () -> ()
    return
  }
}

module attributes {stable_mosaic.version = 14 : i64} {
  func.func @_tc_sum_body(%arg0: i32, %arg1: memref<2x784x128xf32, #tpu.memory_space<vmem>>, %arg2: memref<784x128xf32, #tpu.memory_space<vmem>>) attributes {dimension_semantics = [#tpu.dimension_semantics<arbitrary>], iteration_bounds = array<i64: 8>, scalar_prefetch = 0 : i64, scratch_operands = 0 : i64, tpu.core_type = #tpu.core_type<tc>, window_params = [{transform_indices = @transform_0, window_bounds = array<i64: 2, 784, 128>}, {transform_indices = @transform_1, window_bounds = array<i64: 784, 128>}]} {
    %get3A = arith.constant 0 : index
    %get3A_0 = arith.constant 0 : index
    %get3A_1 = arith.constant 0 : index
    %get3A_2 = vector.load %arg1[%get3A, %get3A_0, %get3A_1] : memref<2x784x128xf32, #tpu.memory_space<vmem>>, vector<1x784x128xf32>
    %get3A_3 = vector.shape_cast %get3A_2 : vector<1x784x128xf32> to vector<784x128xf32>
    %get3A_4 = arith.constant 1 : index
    %get3A_5 = arith.constant 0 : index
    %get3A_6 = arith.constant 0 : index
    %get3A_7 = vector.load %arg1[%get3A_4, %get3A_5, %get3A_6] : memref<2x784x128xf32, #tpu.memory_space<vmem>>, vector<1x784x128xf32>
    %get3A_8 = vector.shape_cast %get3A_7 : vector<1x784x128xf32> to vector<784x128xf32>
    %add3A = arith.addf %get3A_3, %get3A_8 : vector<784x128xf32>
    %swap3A = arith.constant 0 : index
    %swap3A_9 = arith.constant 0 : index
    %swap3A_10 = vector.load %arg2[%swap3A, %swap3A_9] : memref<784x128xf32, #tpu.memory_space<vmem>>, vector<784x128xf32>
    tpu.vector_store %arg2[%swap3A, %swap3A_9], %add3A {strides = array<i32>} : memref<784x128xf32, #tpu.memory_space<vmem>>, vector<784x128xf32>,
    return
  }
  func.func @transform_0(%arg0: i32) -> (i32, i32, i32) {
    %c0_i32 = arith.constant 0 : i32
    %c0_i32_0 = arith.constant 0 : i32
    %c0_i32_1 = arith.constant 0 : i32
    return %c0_i32, %arg0, %c0_i32_0 : i32, i32, i32
  }
  func.func @transform_1(%arg0: i32) -> (i32, i32) {
    %c0_i32 = arith.constant 0 : i32
    %c0_i32_0 = arith.constant 0 : i32
    return %arg0, %c0_i32 : i32, i32
  }
}

</mosaic_0001>

<sc_bundles>
// kernel: kernel.4.cloned.1.call-start
scs
__scs_entry_jumppad:
0x0: {  	(pc) =	sbr.rel $0x88, $3  }
0x1: {  	(tag) =	ssettag $0x0;
	lr =	simm.s32 $0x1  }
0x2: {  	[smem:$0x3F9E] =	sst lr;
	_ =	strace $0xD0000000  }
0x3: {  	_ = 	snop  }
0x4: {  	_ = 	snop  }
0x5: {  	_ = 	snop  }
0x6: {  	_ = 	snop  }
0x7: {  	_ = 	snop  }
__scs_overlays_trampoline_lowered:
0x8: {  	[smem:$0x3FAD] =	sst s0  }
0x9: {  	[smem:$0x3FAE] =	sst s1  }
0xa: {  	[smem:$0x3FAF] =	sst s2  }
0xb: {  	[smem:$0x3FB0] =	sst s3  }
0xc: {  	[smem:$0x3FB1] =	sst s4  }
0xd: {  	[smem:$0x3FB2] =	sst s5  }
0xe: {  	[smem:$0x3FB3] =	sst s6  }
0xf: {  	[smem:$0x3FB4] =	sst s7  }
0x10: {  	[smem:$0x3FB5] =	sst s8  }
0x11: {  	[smem:$0x3FB6] =	sst s9;
	s0 =	simm.s32 @!p0 $0x0  }
0x12: {  	s1 =	sld [smem:$0x3F9C];
	s0 =	simm.s32 @p0 $0x1  }
0x13: {  	[smem:$0x3FB7] =	sst s0;
	s0 =	simm.s32 @!p1 $0x0  }
0x14: {  	s2 =	sld [smem:$0x3F9B];
	s0 =	simm.s32 @p1 $0x1  }
0x15: {  	[smem:$0x3FB8] =	sst s0;
	s0 =	simm.s32 @!p2 $0x0  }
0x16: {  	s3 =	sld [smem:$0x3FDB];
	s0 =	simm.s32 @p2 $0x1  }
0x17: {  	s4 =	simm.s32 $0x1BF5;
	[smem:$0x3FBA] =	sst s0  }
0x18: {  	s0 =	sld [smem:$0x3F9D];
	_ =	swait.ge [sflag:s4], $0x0  }
0x19: {  	s7 =	sld [smem:$0x3F9E]  }
0x1a: {  	s8 =	sadd.s32 $0xFFFFE003, lr  }
0x1b: {  	s9 =	sadd.s32 $0xFFFFFEF7, lr;
	s5 =	simm.s32 $0xFFFFFFFF;
	p2 =	slt.u32 s8, $0xFFFFF086  }
0x1c: {  	p1 =	slt.u32 s9, $0xF7A;
	s5 =	simm.s32 @!p2 $0x0  }
0x1d: {  	s5 =	simm.s32 @p1 $0x1;
	p0 =	seq.s32 s7, s2  }
0x1e: {  	s7 =	smul.u32 @!p0 $0xF7A, s2;
	p2 =	seq.s32 @!p0 s5, $0x0  }
0x1f: {  	s9 =	smul.u32 $0xF7A, s1;
	s8 =	simm.s32 @!p0 $0x1BF5;
	p2 =	por !p2, p0  }
0x20: {  	[sflag:s8] =	ssyncset.s32 @!p0 $0xFFFFF086;
	s6 =	sadd.s32 @!p0 s3, s7;
	s7 =	simm.s32 @!p0 $0x108  }
0x21: {  	s3 =	sadd.s32 s3, s9;
	s6 =	sadd.s32 @!p0 $0x88, s6;
	s7 =	simm.s32 @p2 $0x1082  }
0x22: {  	[simem:s7], [sflag:s8] =	dma.local @!p0 [hbm:s6], $0xF7A  }
0x23: {  	s9 =	sor.u32 $0xD0000000, s2;
	s6 =	simm.s32 $0x108;
	_ =	swait.ge @!p0 [sflag:s8], $0x0  }
0x24: {  	s3 =	sadd.s32 $0x88, s3;
	s6 =	simm.s32 @!p1 $0x1082;
	[sflag:s4] =	ssyncset.s32 $0xFFFFF086  }
0x25: {  	[simem:s6], [sflag:s4] =	dma.local [hbm:s3], $0xF7A  }
0x26: {  	[smem:$0x3F9E] =	sst s1;
	(tag) =	ssettag s2;
	_ =	strace s9  }
0x27: {  	s1 =	sld [smem:$0x3FAE]  }
0x28: {  	s2 =	sld [smem:$0x3FAF]  }
0x29: {  	s4 =	sld [smem:$0x3FB1]  }
0x2a: {  	p0 =	seq.s32 s5, $0x0;
	s5 =	sld [smem:$0x3FB2]  }
0x2b: {  	s6 =	sld [smem:$0x3FB3]  }
0x2c: {  	s7 =	sld [smem:$0x3FB4]  }
0x2d: {  	s3 =	simm.s32 $0x108;
	s8 =	sld [smem:$0x3FB5]  }
0x2e: {  	s3 =	simm.s32 @!p0 $0x1082;
	s9 =	sld [smem:$0x3FB6]  }
0x2f: {  	lr =	sadd.s32 s0, s3;
	s0 =	sld [smem:$0x3FAD]  }
0x30: {  	s3 =	sld [smem:$0x3FB0]  }
0x31: {  	[smem:$0x3FB9] =	sst s10  }
0x32: {  	s10 =	sld [smem:$0x3FB7];
	_ =	sdelay $0x3  }
0x33: {  	p0 =	seq.s32 s10, $0x1;
	s10 =	sld [smem:$0x3FB9];
	_ =	sdelay $0x3  }
0x34: {  	[smem:$0x3FB9] =	sst s10  }
0x35: {  	s10 =	sld [smem:$0x3FB8];
	_ =	sdelay $0x3  }
0x36: {  	p1 =	seq.s32 s10, $0x1;
	s10 =	sld [smem:$0x3FB9];
	_ =	sdelay $0x3  }
0x37: {  	[smem:$0x3FB9] =	sst s10  }
0x38: {  	s10 =	sld [smem:$0x3FBA]  }
0x39: {  	_ = 	snop;
	(pc) =	sbr.ind lr, $3  }
0x3a: {  	_ = 	snop  }
0x3b: {  	_ = 	snop  }
0x3c: {  	p2 =	seq.s32 s10, $0x1;
	s10 =	sld [smem:$0x3FB9]  }
0x3d: {  	_ =	shalt  }
0x3e: {  	_ =	shalt  }
0x3f: {  	_ =	shalt  }
0x40: {  	_ =	shalt  }
0x41: {  	_ =	shalt  }
0x42: {  	_ =	shalt  }
0x43: {  	_ =	shalt  }
0x44: {  	_ =	shalt  }
0x45: {  	_ =	shalt  }
0x46: {  	_ =	shalt  }
0x47: {  	_ =	shalt  }
0x48: {  	_ =	shalt  }
0x49: {  	_ =	shalt  }
0x4a: {  	_ =	shalt  }
0x4b: {  	_ =	shalt  }
0x4c: {  	_ =	shalt  }
0x4d: {  	_ =	shalt  }
0x4e: {  	_ =	shalt  }
0x4f: {  	_ =	shalt  }
0x50: {  	_ =	shalt  }
0x51: {  	_ =	shalt  }
0x52: {  	_ =	shalt  }
0x53: {  	_ =	shalt  }
0x54: {  	_ =	shalt  }
0x55: {  	_ =	shalt  }
0x56: {  	_ =	shalt  }
0x57: {  	_ =	shalt  }
0x58: {  	_ =	shalt  }
0x59: {  	_ =	shalt  }
0x5a: {  	_ =	shalt  }
0x5b: {  	_ =	shalt  }
0x5c: {  	_ =	shalt  }
0x5d: {  	_ =	shalt  }
0x5e: {  	_ =	shalt  }
0x5f: {  	_ =	shalt  }
0x60: {  	_ =	shalt  }
0x61: {  	_ =	shalt  }
0x62: {  	_ =	shalt  }
0x63: {  	_ =	shalt  }
0x64: {  	_ =	shalt  }
0x65: {  	_ =	shalt  }
0x66: {  	_ =	shalt  }
0x67: {  	_ =	shalt  }
0x68: {  	_ =	shalt  }
0x69: {  	_ =	shalt  }
0x6a: {  	_ =	shalt  }
0x6b: {  	_ =	shalt  }
0x6c: {  	_ =	shalt  }
0x6d: {  	_ =	shalt  }
0x6e: {  	_ =	shalt  }
0x6f: {  	_ =	shalt  }
0x70: {  	_ =	shalt  }
0x71: {  	_ =	shalt  }
0x72: {  	_ =	shalt  }
0x73: {  	_ =	shalt  }
0x74: {  	_ =	shalt  }
0x75: {  	_ =	shalt  }
0x76: {  	_ =	shalt  }
0x77: {  	_ =	shalt  }
0x78: {  	_ =	shalt  }
0x79: {  	_ =	shalt  }
0x7a: {  	_ =	shalt  }
0x7b: {  	_ =	shalt  }
0x7c: {  	_ =	shalt  }
0x7d: {  	_ =	shalt  }
0x7e: {  	_ =	shalt  }
0x7f: {  	_ =	shalt  }
0x80: {  	_ =	shalt  }
0x81: {  	_ =	shalt  }
0x82: {  	_ =	shalt  }
0x83: {  	_ =	shalt  }
0x84: {  	_ =	shalt  }
0x85: {  	_ =	shalt  }
0x86: {  	_ =	shalt  }
0x87: {  	_ =	shalt  }
.Lfunc_end0:
.L_simem_size_0:
called_computation_lowered:
.L_overlay_start_0:
0x88: {  	s2 =	sld [smem:$0x3FD9]  }
0x89: {  	s3 =	sld [smem:$0x3FFE];
	_ =	sdelay $0x1  }
0x8a: {  	s1 =	srdreg.scid  }
0x8b: {  	s0 =	sand.u32 $0x1, s1  }
0x8c: {  	s17 =	sshll.u32 s0, $0xA;
	s2 =	sadd.s32 s3, s2  }
0x8d: {  	s2 =	sadd.s32 s2, s17  }
0x8e: {  	[smem:$0x3FC5] =	sst s2  }
0x8f: {  	_ = 	snop  }
0x90: {  	s2 =	sld [smem:$0x3FC8]  }
0x91: {  	s18 =	sld [smem:$0x3FC7];
	(tm) =	ssettm $0x1  }
0x92: {  	s4 =	sld [smem:$0x3FFB];
	_ =	sdelay $0x3  }
0x93: {  	_ =	strace s4  }
0x94: {  	s4 =	sld [smem:$0x3FFC];
	_ =	sdelay $0x3  }
0x95: {  	_ =	strace s4  }
0x96: {  	s4 =	sld [smem:$0x3FFD];
	_ =	sdelay $0x3  }
0x97: {  	_ =	strace s4  }
0x98: {  	_ =	strace $0x8FFFFFFF  }
0x99: {  	s19 =	sld [smem:$0x3FDB];
	_ =	sdelay $0x1  }
0x9a: {  	s5 =	simm.s32 $_scs_section_size  }
0x9b: {  	s6 =	simm.s32 $_size__tile_overlayer_lowered;
	s7 =	simm.s32 $_tile_overlayer_lowered  }
0x9c: {  	s22 =	simm.s32 $0x1BFF;
	s21 =	sshll.u32 s7, $0x1;
	s4 =	sadd.s32 s5, s19  }
0x9d: {  	s8 =	simm.s32 $0x0;
	s20 =	sshll.u32 s6, $0x1;
	s6 =	sadd.s32 s21, s4  }
0x9e: {  	[timem:s8], [sflag:s22] =	dma.local [hbm:s6], s20  }
0x9f: {  	_ =	swait.ge [sflag:s22], s20  }
0xa0: {  	s5 =	ssub.s32 $0x0, s20;
	[sflag:s22] =	ssyncset.done $0x0  }
0xa1: {  	[sflag:s22] =	ssyncadd.s32 s5;
	_ =	sdelay $0x1  }
0xa2: {  	s23 =	simm.s32 $0x1B8B  }
0xa3: {  	_ =	swait.ge [sflag:s23], $0x1  }
0xa4: {  	[sflag:s23] =	ssyncset.done $0x0  }
0xa5: {  	s25 =	simm.s32 $0x1B8E;
	s24 =	sld [smem:$0x3FFE];
	[sflag:s23] =	ssyncadd.s32 $0xFFFFFFFF  }
0xa6: {  	s26 =	simm.s32 $execute0_lowered;
	[smem:$0x3FD2] =	sst s25  }
0xa7: {  	s6 =	sshll.u32 s26, $0x1;
	_ =	strace $0x80000046;
	[dreg:$0x1] =	wrdreg $0xFFFFFFFF  }
0xa8: {  	s28 =	simm.s32 $_size_execute0_lowered;
	s4 =	sadd.s32 s4, s6;
	[dreg:$0x0] =	wrdreg $0x0  }
0xa9: {  	s6 =	sshll.u32 s28, $0x1;
	[dreg:$0x2] =	wrdreg s4  }
0xaa: {  	[dreg:$0x3] =	wrdreg s6  }
0xab: {  	[dreg:$0x4] =	wrdreg $0xC0  }
0xac: {  	_ =	task [dreg:s8], $0x5FFFF  }
0xad: {  	[dreg:$0x1] =	wrdreg $0xFFFFFFFF  }
0xae: {  	[dreg:$0x0] =	wrdreg $0x60  }
0xaf: {  	[dreg:$0x2] =	wrdreg s24  }
0xb0: {  	[dreg:$0x3] =	wrdreg s2  }
0xb1: {  	[dreg:$0x4] =	wrdreg s18  }
0xb2: {  	[dreg:$0x5] =	wrdreg $0x62000  }
0xb3: {  	[dreg:$0x6] =	wrdreg $0x9  }
0xb4: {  	_ =	task.clear_ibuf [dreg:s8], $0x7FFFF;
	_ =	strace $0x90000046  }
0xb5: {  	s29 =	simm.s32 $0x9;
	_ =	strace $0x80000048  }
0xb6: {  	_ =	swait.ge [sflag:s29], $0x1  }
0xb7: {  	[sflag:s29] =	ssyncadd.s32 $0xFFFFFFFF  }
0xb8: {  	_ =	strace $0x90000048  }
0xb9: {  	_ =	sfence  }
0xba: {  	s30 =	sld [smem:$0x0];
	_ =	sdelay $0x2  }
0xbb: {  	s31 =	sshll.u32 s1, $0xD;
	s1 =	sshrl.u32 s1, $0x2  }
0xbc: {  	s3 =	sand.u32 $0x4000, s31;
	s1 =	sadd.s32 s1, s30  }
0xbd: {  	s0 =	sor.u32 s3, s0;
	s1 =	sshll.u32 s1, $0x11  }
0xbe: {  	s0 =	sor.u32 s1, s0  }
0xbf: {  	s0 =	sadd.s32 $0x8F2B, s0  }
0xc0: {  	[sflag:s0] =	ssyncadd.remote.s32 $0x1  }
0xc1: {  	_ =	sfence.sel $0xFFFF  }
0xc2: {  	[dreg:$0x0] =	wrdreg $0xFFFFFFFF;
	(pc) =	sbr.abs _section_cstart, $3  }
0xc3: {  	[dreg:$0x1] =	wrdreg $0xFFFFFFFF  }
0xc4: {  	_ =	task.clear_ibuf [dreg:s8], $0x2FFFF;
	_ =	strace $0x9FFFFFFF  }
0xc5: {  	(tm) =	ssettm $0x7FFFFFFF  }
tec
execute0_lowered:
.L_overlay_start_1:
0x0: {  	(tag) =	ssettag $0x1  }
0x1: {  	s1 =	stileid.u32  }
0x2: {  	s0 =	rddreg [dreg:$0x0];
	s7 =	smul.u32 $0xC400, s1  }
0x3: {  	s4 =	rddreg [dreg:$0x3];
	s3 =	simm.s32 $0x0  }
0x4: {  	[smem:$0x7FF] =	sst s3;
	s5 =	sadd.s32 s7, s4  }
0x5: {  	_ =	strace $0x80000047;
	s23 =	sadd.s32 $0x800, s5;
	[dreg:$0x6] =	wrdreg s5  }
0x6: {  	s24 =	sadd.s32 $0x1000, s5;
	[dreg:$0x7] =	wrdreg s23  }
0x7: {  	s25 =	sadd.s32 $0x1800, s5;
	[dreg:$0x8] =	wrdreg s24  }
0x8: {  	s2 =	srdreg.scid;
	s26 =	sadd.s32 $0x2000, s5;
	[dreg:$0x9] =	wrdreg s25  }
0x9: {  	s2 =	sand.u32 $0x1, s2;
	s28 =	sadd.s32 $0x2800, s5;
	[dreg:$0xa] =	wrdreg s26  }
0xa: {  	s6 =	smul.u32 $0xC4000, s2;
	s29 =	sadd.s32 $0x3000, s5;
	[dreg:$0xb] =	wrdreg s28  }
0xb: {  	s9 =	ssub.s32 $0x2, s2;
	s30 =	sadd.s32 $0x3800, s5;
	[dreg:$0xc] =	wrdreg s29  }
0xc: {  	s10 =	sshrl.u32 s9, $0x1;
	s31 =	sadd.s32 $0x4000, s5;
	[dreg:$0xd] =	wrdreg s30  }
0xd: {  	s8 =	sadd.s32 s7, s6;
	s7 =	sadd.s32 $0x4800, s5;
	[dreg:$0xe] =	wrdreg s31  }
0xe: {  	s9 =	ssub.s32 s9, s10;
	s10 =	sadd.s32 $0x5000, s5;
	[dreg:$0xf] =	wrdreg s7  }
0xf: {  	s22 =	simm.s32 $0xC4;
	s11 =	sadd.s32 $0x5800, s5;
	[dreg:$0x10] =	wrdreg s10  }
0x10: {  	s2 =	sshll.u32 s2, $0x4;
	s13 =	sadd.s32 $0x6000, s5;
	[dreg:$0x11] =	wrdreg s11  }
0x11: {  	s2 =	sor.u32 s1, s2;
	s14 =	sadd.s32 $0x6800, s5;
	[dreg:$0x12] =	wrdreg s13  }
0x12: {  	s6 =	sadd.s32 $0x600, s0;
	s17 =	sadd.s32 $0x7000, s5;
	[dreg:$0x13] =	wrdreg s14  }
0x13: {  	s12 =	smul.u32 $0xC3, s2;
	s18 =	sadd.s32 $0x7800, s5;
	[dreg:$0x16] =	wrdreg s17  }
0x14: {  	p0 =	slt.u32 s2, $0xA;
	s19 =	sadd.s32 $0x8000, s5;
	[dreg:$0x17] =	wrdreg s18  }
0x15: {  	s2 =	smin.u32 s2, $0xA;
	s20 =	sadd.s32 $0x8800, s5;
	[dreg:$0x18] =	wrdreg s19  }
0x16: {  	s8 =	sshrl.u32 s8, $0x3;
	s16 =	smax.u32 s9, $0x1;
	[dreg:$0x19] =	wrdreg s20  }
0x17: {  	s22 =	simm.s32 @!p0 $0xC3;
	s24 =	sadd.s32 $0x9000, s5;
	[dreg:$0x15] =	wrdreg s16  }
0x18: {  	s23 =	sadd.s32 $0xE00, s0;
	s25 =	sadd.s32 $0x9800, s5;
	[dreg:$0x1a] =	wrdreg s24  }
0x19: {  	s26 =	sadd.s32 $0xA000, s5;
	s28 =	sadd.s32 $0xA800, s5;
	[dreg:$0x1b] =	wrdreg s25  }
0x1a: {  	s29 =	sadd.s32 $0xB000, s5;
	s30 =	sadd.s32 $0xB800, s5;
	[dreg:$0x1c] =	wrdreg s26  }
0x1b: {  	s31 =	sadd.s32 $0xC000, s5;
	s13 =	simm.s32 $0x2;
	[dreg:$0x1d] =	wrdreg s28  }
0x1c: {  	s17 =	simm.s32 $0x4800;
	s18 =	simm.s32 $0x5800;
	[dreg:$0x1e] =	wrdreg s29  }
0x1d: {  	s19 =	simm.s32 $0x5000;
	s20 =	simm.s32 $0x1;
	[dreg:$0x1f] =	wrdreg s30  }
0x1e: {  	s8 =	sadd.s32 s8, s0;
	s21 =	sadd.s32 s2, s12;
	[smem:$0x7FD] =	sst s31  }
0x1f: {  	s12 =	simm.s32 $0x4000;
	s16 =	simm.s32 $0x800;
	s15 =	sadd.s32 $0x186A600, s8  }
0x20: {  	v0 =	vimm.f32 $0.0e+00;
	v1 =	vlaneseq.u32;
	s24 =	simm.s32 $0x0;
	[dreg:$0x14] =	wrdreg s15;
	s15 =	simm.s32 $0x6100  }
.LBB2_1:
0x21: {  	[dreg:$0x5] =	wrdreg s3;
	s0 =	simm.s32 $0x4040  }
0x22: {  	[tilespmem:s0+$0xFFFFFFC0] =	vst v0  }
0x23: {  	[tilespmem:s0+$0x30] =	vst v0  }
0x24: {  	[tilespmem:s0+$0x20] =	vst v0  }
0x25: {  	[tilespmem:s0+$0x10] =	vst v0  }
0x26: {  	[tilespmem:s0+$0x0] =	vst v0  }
0x27: {  	[tilespmem:s0+$0xFFFFFFF0] =	vst v0  }
0x28: {  	s2 =	simm.s32 $0x0;
	[tilespmem:s0+$0xFFFFFFE0] =	vst v0  }
.LBB2_2:
0x29: {  	s2 =	sadd.s32 $0x8, s2;
	[tilespmem:s0+$0xFFFFFFD0] =	vst v0;
	s0 =	sadd.s32 $0x80, s0  }
0x2a: {  	[tilespmem:s0+$0xFFFFFFC0] =	vst v0;
	p0 =	slt.u32 s2, $0x78  }
0x2b: {  	[tilespmem:s0+$0x30] =	vst v0  }
.Ltmp0:
0x2c: {  	[tilespmem:s0+$0x20] =	vst v0;
	(pc) =	sbr.rel @p0 .LBB2_2-.Ltmp0, $4  }
0x2d: {  	[tilespmem:s0+$0x10] =	vst v0  }
0x2e: {  	[tilespmem:s0+$0x0] =	vst v0  }
0x2f: {  	[tilespmem:s0+$0xFFFFFFF0] =	vst v0  }
0x30: {  	[tilespmem:s0+$0xFFFFFFE0] =	vst v0  }
0x31: {  	[tilespmem:s0+$0xFFFFFFD0] =	vst v0  }
0x32: {  	[spmem:s5] =	stream.linear.scatter [tilespmem:s12], [sflag:$0x2], $0x800, $0x38;
	[tilespmem:$0x12600] =	vst v63  }
0x33: {  	_ =	swait.ge [sflag:s13], $0x800  }
0x34: {  	[sflag:s13] =	ssyncset.done $0x0  }
0x35: {  	s11 =	rddreg [dreg:$0x7];
	[sflag:s13] =	ssyncadd.s32 $0xFFFFF800  }
0x36: {  	[spmem:s11] =	stream.linear.scatter [tilespmem:s12], [sflag:$0x2], $0x800, $0x38;
	[tilespmem:$0x12600] =	vst v63  }
0x37: {  	_ =	swait.ge [sflag:s13], $0x800  }
0x38: {  	[sflag:s13] =	ssyncset.done $0x0  }
0x39: {  	s14 =	rddreg [dreg:$0x8];
	[sflag:s13] =	ssyncadd.s32 $0xFFFFF800  }
0x3a: {  	[spmem:s14] =	stream.linear.scatter [tilespmem:s12], [sflag:$0x2], $0x800, $0x38;
	[tilespmem:$0x12600] =	vst v63  }
0x3b: {  	_ =	swait.ge [sflag:s13], $0x800  }
0x3c: {  	[sflag:s13] =	ssyncset.done $0x0  }
0x3d: {  	s25 =	rddreg [dreg:$0x9];
	[sflag:s13] =	ssyncadd.s32 $0xFFFFF800  }
0x3e: {  	[spmem:s25] =	stream.linear.scatter [tilespmem:s12], [sflag:$0x2], $0x800, $0x38;
	[tilespmem:$0x12600] =	vst v63  }
0x3f: {  	_ =	swait.ge [sflag:s13], $0x800  }
0x40: {  	[sflag:s13] =	ssyncset.done $0x0  }
0x41: {  	s26 =	rddreg [dreg:$0xa];
	[sflag:s13] =	ssyncadd.s32 $0xFFFFF800  }
0x42: {  	[spmem:s26] =	stream.linear.scatter [tilespmem:s12], [sflag:$0x2], $0x800, $0x38;
	[tilespmem:$0x12600] =	vst v63  }
0x43: {  	_ =	swait.ge [sflag:s13], $0x800  }
0x44: {  	[sflag:s13] =	ssyncset.done $0x0  }
0x45: {  	s28 =	rddreg [dreg:$0xb];
	[sflag:s13] =	ssyncadd.s32 $0xFFFFF800  }
0x46: {  	[spmem:s28] =	stream.linear.scatter [tilespmem:s12], [sflag:$0x2], $0x800, $0x38;
	[tilespmem:$0x12600] =	vst v63  }
0x47: {  	_ =	swait.ge [sflag:s13], $0x800  }
0x48: {  	[sflag:s13] =	ssyncset.done $0x0  }
0x49: {  	s29 =	rddreg [dreg:$0xc];
	[sflag:s13] =	ssyncadd.s32 $0xFFFFF800  }
0x4a: {  	[spmem:s29] =	stream.linear.scatter [tilespmem:s12], [sflag:$0x2], $0x800, $0x38;
	[tilespmem:$0x12600] =	vst v63  }
0x4b: {  	_ =	swait.ge [sflag:s13], $0x800  }
0x4c: {  	[sflag:s13] =	ssyncset.done $0x0  }
0x4d: {  	s30 =	rddreg [dreg:$0xd];
	[sflag:s13] =	ssyncadd.s32 $0xFFFFF800  }
0x4e: {  	[spmem:s30] =	stream.linear.scatter [tilespmem:s12], [sflag:$0x2], $0x800, $0x38;
	[tilespmem:$0x12600] =	vst v63  }
0x4f: {  	_ =	swait.ge [sflag:s13], $0x800  }
0x50: {  	[sflag:s13] =	ssyncset.done $0x0  }
0x51: {  	s31 =	rddreg [dreg:$0xe];
	[sflag:s13] =	ssyncadd.s32 $0xFFFFF800  }
0x52: {  	[spmem:s31] =	stream.linear.scatter [tilespmem:s12], [sflag:$0x2], $0x800, $0x38;
	[tilespmem:$0x12600] =	vst v63  }
0x53: {  	_ =	swait.ge [sflag:s13], $0x800  }
0x54: {  	[sflag:s13] =	ssyncset.done $0x0  }
0x55: {  	s1 =	rddreg [dreg:$0xf];
	[sflag:s13] =	ssyncadd.s32 $0xFFFFF800  }
0x56: {  	[spmem:s1] =	stream.linear.scatter [tilespmem:s12], [sflag:$0x2], $0x800, $0x38;
	[tilespmem:$0x12600] =	vst v63  }
0x57: {  	_ =	swait.ge [sflag:s13], $0x800  }
0x58: {  	[sflag:s13] =	ssyncset.done $0x0  }
0x59: {  	s2 =	rddreg [dreg:$0x10];
	[sflag:s13] =	ssyncadd.s32 $0xFFFFF800  }
0x5a: {  	[spmem:s2] =	stream.linear.scatter [tilespmem:s12], [sflag:$0x2], $0x800, $0x38;
	[tilespmem:$0x12600] =	vst v63  }
0x5b: {  	_ =	swait.ge [sflag:s13], $0x800  }
0x5c: {  	[sflag:s13] =	ssyncset.done $0x0  }
0x5d: {  	s3 =	rddreg [dreg:$0x11];
	[sflag:s13] =	ssyncadd.s32 $0xFFFFF800  }
0x5e: {  	[spmem:s3] =	stream.linear.scatter [tilespmem:s12], [sflag:$0x2], $0x800, $0x38;
	[tilespmem:$0x12600] =	vst v63  }
0x5f: {  	_ =	swait.ge [sflag:s13], $0x800  }
0x60: {  	[sflag:s13] =	ssyncset.done $0x0  }
0x61: {  	s5 =	rddreg [dreg:$0x12];
	[sflag:s13] =	ssyncadd.s32 $0xFFFFF800  }
0x62: {  	[spmem:s5] =	stream.linear.scatter [tilespmem:s12], [sflag:$0x2], $0x800, $0x38;
	[tilespmem:$0x12600] =	vst v63  }
0x63: {  	_ =	swait.ge [sflag:s13], $0x800  }
0x64: {  	[sflag:s13] =	ssyncset.done $0x0  }
0x65: {  	s7 =	rddreg [dreg:$0x13];
	[sflag:s13] =	ssyncadd.s32 $0xFFFFF800  }
0x66: {  	[spmem:s7] =	stream.linear.scatter [tilespmem:s12], [sflag:$0x2], $0x800, $0x38;
	[tilespmem:$0x12600] =	vst v63  }
0x67: {  	_ =	swait.ge [sflag:s13], $0x800  }
0x68: {  	[sflag:s13] =	ssyncset.done $0x0  }
0x69: {  	s8 =	rddreg [dreg:$0x16];
	[sflag:s13] =	ssyncadd.s32 $0xFFFFF800  }
0x6a: {  	[spmem:s8] =	stream.linear.scatter [tilespmem:s12], [sflag:$0x2], $0x800, $0x38;
	[tilespmem:$0x12600] =	vst v63  }
0x6b: {  	_ =	swait.ge [sflag:s13], $0x800  }
0x6c: {  	[sflag:s13] =	ssyncset.done $0x0  }
0x6d: {  	s9 =	rddreg [dreg:$0x17];
	[sflag:s13] =	ssyncadd.s32 $0xFFFFF800  }
0x6e: {  	[spmem:s9] =	stream.linear.scatter [tilespmem:s12], [sflag:$0x2], $0x800, $0x38;
	[tilespmem:$0x12600] =	vst v63  }
0x6f: {  	_ =	swait.ge [sflag:s13], $0x800  }
0x70: {  	[sflag:s13] =	ssyncset.done $0x0  }
0x71: {  	s10 =	rddreg [dreg:$0x18];
	[sflag:s13] =	ssyncadd.s32 $0xFFFFF800  }
0x72: {  	[spmem:s10] =	stream.linear.scatter [tilespmem:s12], [sflag:$0x2], $0x800, $0x38;
	[tilespmem:$0x12600] =	vst v63  }
0x73: {  	_ =	swait.ge [sflag:s13], $0x800  }
0x74: {  	[sflag:s13] =	ssyncset.done $0x0  }
0x75: {  	s11 =	rddreg [dreg:$0x19];
	[sflag:s13] =	ssyncadd.s32 $0xFFFFF800  }
0x76: {  	[spmem:s11] =	stream.linear.scatter [tilespmem:s12], [sflag:$0x2], $0x800, $0x38;
	[tilespmem:$0x12600] =	vst v63  }
0x77: {  	_ =	swait.ge [sflag:s13], $0x800  }
0x78: {  	[sflag:s13] =	ssyncset.done $0x0  }
0x79: {  	s14 =	rddreg [dreg:$0x1a];
	[sflag:s13] =	ssyncadd.s32 $0xFFFFF800  }
0x7a: {  	[spmem:s14] =	stream.linear.scatter [tilespmem:s12], [sflag:$0x2], $0x800, $0x38;
	[tilespmem:$0x12600] =	vst v63  }
0x7b: {  	_ =	swait.ge [sflag:s13], $0x800  }
0x7c: {  	[sflag:s13] =	ssyncset.done $0x0  }
0x7d: {  	s25 =	rddreg [dreg:$0x1b];
	[sflag:s13] =	ssyncadd.s32 $0xFFFFF800  }
0x7e: {  	[spmem:s25] =	stream.linear.scatter [tilespmem:s12], [sflag:$0x2], $0x800, $0x38;
	[tilespmem:$0x12600] =	vst v63  }
0x7f: {  	_ =	swait.ge [sflag:s13], $0x800  }
0x80: {  	[sflag:s13] =	ssyncset.done $0x0  }
0x81: {  	s26 =	rddreg [dreg:$0x1c];
	[sflag:s13] =	ssyncadd.s32 $0xFFFFF800  }
0x82: {  	[spmem:s26] =	stream.linear.scatter [tilespmem:s12], [sflag:$0x2], $0x800, $0x38;
	[tilespmem:$0x12600] =	vst v63  }
0x83: {  	_ =	swait.ge [sflag:s13], $0x800  }
0x84: {  	[sflag:s13] =	ssyncset.done $0x0  }
0x85: {  	s28 =	rddreg [dreg:$0x1d];
	[sflag:s13] =	ssyncadd.s32 $0xFFFFF800  }
0x86: {  	[spmem:s28] =	stream.linear.scatter [tilespmem:s12], [sflag:$0x2], $0x800, $0x38;
	[tilespmem:$0x12600] =	vst v63  }
0x87: {  	_ =	swait.ge [sflag:s13], $0x800  }
0x88: {  	[sflag:s13] =	ssyncset.done $0x0  }
0x89: {  	s29 =	rddreg [dreg:$0x1e];
	[sflag:s13] =	ssyncadd.s32 $0xFFFFF800  }
0x8a: {  	[spmem:s29] =	stream.linear.scatter [tilespmem:s12], [sflag:$0x2], $0x800, $0x38;
	[tilespmem:$0x12600] =	vst v63  }
0x8b: {  	_ =	swait.ge [sflag:s13], $0x800  }
0x8c: {  	[sflag:s13] =	ssyncset.done $0x0  }
0x8d: {  	s30 =	rddreg [dreg:$0x1f];
	[sflag:s13] =	ssyncadd.s32 $0xFFFFF800  }
0x8e: {  	[spmem:s30] =	stream.linear.scatter [tilespmem:s12], [sflag:$0x2], $0x800, $0x38;
	[tilespmem:$0x12600] =	vst v63  }
0x8f: {  	_ =	swait.ge [sflag:s13], $0x800  }
0x90: {  	s31 =	sld [smem:$0x7FD]  }
0x91: {  	[sflag:s13] =	ssyncset.done $0x0  }
0x92: {  	[sflag:s13] =	ssyncadd.s32 $0xFFFFF800  }
0x93: {  	[spmem:s31] =	stream.linear.scatter [tilespmem:s12], [sflag:$0x2], $0x400, $0x38;
	[tilespmem:$0x12600] =	vst v63  }
0x94: {  	_ =	swait.ge [sflag:s13], $0x400  }
0x95: {  	[sflag:s13] =	ssyncset.done $0x0  }
0x96: {  	[sflag:s13] =	ssyncadd.s32 $0xFFFFFC00  }
0x97: {  	s25 =	simm.s32 $0x0;
	[bflag:$0x0] =	sbarrier.arrive $0xFFFF  }
.LBB2_4:
0x98: {  	s0 =	sadd.s32 s25, s21  }
0x99: {  	s2 =	sshll.u32 s0, $0x5  }
0x9a: {  	s1 =	rddreg [dreg:$0x1];
	s2 =	sand.u32 $0x1FFFFFE0, s2  }
0x9b: {  	s14 =	simm.s32 $0x6000;
	s8 =	sadd.s32 s1, s2  }
0x9c: {  	[tilespmem:s14], [sflag:$0x2] =	stream.linear.gather [hbm4b:s8+s24], $0x100, $0x38;
	[tilespmem:$0x12600] =	vst v63  }
0x9d: {  	_ =	swait.ge [sflag:s13], $0x100  }
0x9e: {  	[sflag:s13] =	ssyncset.done $0x0  }
0x9f: {  	[sflag:s13] =	ssyncadd.s32 $0xFFFFFF00  }
0xa0: {  	s26 =	rddreg [dreg:$0x2]  }
0xa1: {  	s2 =	sadd.s32 s26, s2  }
0xa2: {  	[tilespmem:s15], [sflag:$0x2] =	stream.linear.gather [hbm4b:s2+s24], $0x100, $0x38;
	[tilespmem:$0x12600] =	vst v63  }
0xa3: {  	s0 =	sshll.u32 s0, $0xC;
	_ =	swait.ge [sflag:s13], $0x100  }
0xa4: {  	s26 =	sand.u32 $0x1FFFF000, s0;
	[sflag:s13] =	ssyncset.done $0x0  }
0xa5: {  	s0 =	sadd.s32 s6, s26;
	[sflag:s13] =	ssyncadd.s32 $0xFFFFFF00  }
0xa6: {  	[tilespmem:s24], [sflag:$0x2] =	stream.linear.gather [hbm4b:s0+s24], $0x4000, $0x38;
	[tilespmem:$0x12600] =	vst v63  }
0xa7: {  	_ =	swait.ge [sflag:s13], $0x4000  }
0xa8: {  	[sflag:s13] =	ssyncset.done $0x0  }
0xa9: {  	s1 =	simm.s32 $0x200;
	[sflag:s13] =	ssyncadd.s32 $0xFFFFC000  }
0xaa: {  	v2 =	vld [tilespmem:s1+$0x0]  }
0xab: {  	s28 =	simm.s32 $0x0;
	s2 =	sand.u32 $0xFFFFFFF0, s24;
	v4 =	vld [tilespmem:s1+$0x100]  }
0xac: {  	s29 =	sand.u32 $0x70, s28;
	s0 =	ssub.s32 $0xFFFFFFF8, s2;
	v5 =	vld [tilespmem:s1+$0xFFFFFF80]  }
0xad: {  	s3 =	simm.s32 $0x1;
	s10 =	ssub.s32 $0x0, s2;
	s5 =	sadd.s32 $0xB, s0;
	v8 =	vld [tilespmem:s29+$0x6000]  }
0xae: {  	s9 =	sand.u32 $0x8, s28;
	v6 =	vmov s3;
	s31 =	sadd.s32 $0x2, s10;
	v9 =	vmov s5;
	v3 =	vld [tilespmem:s1+$0xFFFFFE80]  }
0xaf: {  	s30 =	simm.s32 $0x4040;
	v7 =	vmov s9;
	v12 =	vmov s31;
	v9 =	vand.u32 $0xF, v9;
	v11 =	vld [tilespmem:s1+$0xFFFFFF00]  }
0xb0: {  	v6 =	vand.u32 $0xF, v6;
	s7 =	sadd.s32 $0x6, s10;
	v12 =	vand.u32 $0xF, v12;
	v9 =	vbroadcast v9, $0x0;
	v14 =	vld [tilespmem:s1+$0xFFFFFE00];
	[tilespmem:s30+$0x0] =	vst v2  }
0xb1: {  	v6 =	vbroadcast v6, $0x0;
	v10 =	vmov s7;
	s9 =	sadd.s32 $0xF, s0;
	s0 =	sadd.s32 $0xC, s0;
	v12 =	vbroadcast v12, $0x0;
	[tilespmem:s30+$0x20] =	vst v4  }
0xb2: {  	s11 =	sadd.s32 $0x5, s10;
	v13 =	vmov s9;
	v53 =	vmov s0;
	[tilespmem:s30+$0xFFFFFFF0] =	vst v5;
	v16 =	vperm.xlane v8, v9  }
0xb3: {  	v2 =	vld [tilespmem:s1+$0x80];
	v4 =	vand.u32 $0xF, v13;
	[tilespmem:s30+$0xFFFFFFD0] =	vst v3;
	v3 =	vmov s11;
	v55 =	vperm.xlane v8, v6  }
0xb4: {  	v5 =	vld [tilespmem:s1+$0x180];
	[tilespmem:s30+$0xFFFFFFE0] =	vst v11;
	v13 =	vand.u32 $0xF, v53;
	v4 =	vbroadcast v4, $0x0;
	v56 =	vshll.u32 v16, $0x4  }
0xb5: {  	s14 =	simm.s32 $0x4840;
	v17 =	vld [tilespmem:s29+$0x6100];
	[tilespmem:s30+$0xFFFFFFC0] =	vst v14;
	v3 =	vand.u32 $0xF, v3;
	v14 =	vshll.u32 v55, $0x4;
	v57 =	vor.u32 v1, v56  }
0xb6: {  	v13 =	vbroadcast v13, $0x0;
	v54 =	vperm.xlane v8, v4;
	v14 =	vor.u32 v1, v14;
	[tilespmem:s14+$0xFFFFFFF0] =	vst v57  }
0xb7: {  	v10 =	vand.u32 $0xF, v10;
	v15 =	vperm.xlane v8, v12;
	v3 =	vbroadcast v3, $0x0;
	[tilespmem:s14+$0xFFFFFFD0] =	vst v14  }
0xb8: {  	v10 =	vbroadcast v10, $0x0;
	v59 =	vperm.xlane v8, v13;
	[tilespmem:s30+$0x10] =	vst v2;
	v11 =	vshll.u32 v54, $0x4  }
0xb9: {  	v58 =	vperm.xlane v8, v3;
	v2 =	vshll.u32 v15, $0x4;
	[tilespmem:s30+$0x30] =	vst v5;
	v5 =	vor.u32 v1, v11  }
0xba: {  	v2 =	vor.u32 v1, v2;
	v11 =	vshll.u32 v59, $0x4;
	[tilespmem:s14+$0x30] =	vst v5;
	v5 =	vperm.xlane v8, v10  }
0xbb: {  	v61 =	vld [tilespmem:s1+$0xFFFFFF90];
	[tilespmem:s14+$0xFFFFFFE0] =	vst v2;
	v2 =	vshll.u32 v58, $0x4;
	v8 =	vperm.xlane v8, v7;
	v11 =	vor.u32 v1, v11  }
0xbc: {  	v60 =	vld [tilespmem:s1+$0xFFFFFF10];
	v2 =	vor.u32 v1, v2;
	[tilespmem:s14+$0x0] =	vst v11;
	v5 =	vshll.u32 v5, $0x4  }
0xbd: {  	[tilespmem:s14+$0x10] =	vst v2;
	v2 =	vor.u32 v1, v5;
	v5 =	vshll.u32 v8, $0x4;
	v8 =	vld [tilespmem:s1+$0xFFFFFE90]  }
0xbe: {  	[tilespmem:s14+$0x20] =	vst v2;
	v2 =	vor.u32 v1, v5;
	v5 =	vld [tilespmem:s1+$0x90]  }
0xbf: {  	s29 =	simm.s32 $0x5040;
	[tilespmem:s14+$0xFFFFFFC0] =	vst v2;
	v2 =	vld [tilespmem:s1+$0x10]  }
0xc0: {  	[tilespmem:s29+$0xFFFFFFF0] =	vst v61  }
0xc1: {  	v3 =	vperm.xlane v17, v3;
	[tilespmem:s29+$0xFFFFFFE0] =	vst v60  }
0xc2: {  	v62 =	vperm.xlane v17, v13;
	v63 =	vld [tilespmem:s1+$0xFFFFFE10];
	[tilespmem:s29+$0xFFFFFFD0] =	vst v8  }
0xc3: {  	v3 =	vshll.u32 v3, $0x4;
	[tilespmem:s29+$0x10] =	vst v5  }
0xc4: {  	s30 =	simm.s32 $0x5840;
	v3 =	vor.u32 v1, v3;
	v8 =	vshll.u32 v62, $0x4;
	v5 =	vperm.xlane v17, v7;
	v7 =	vld [tilespmem:s1+$0x110];
	[tilespmem:s29+$0x0] =	vst v2  }
0xc5: {  	v9 =	vperm.xlane v17, v9;
	v4 =	vperm.xlane v17, v4;
	v2 =	vor.u32 v1, v8;
	[tilespmem:s30+$0x10] =	vst v3  }
0xc6: {  	v8 =	vperm.xlane v17, v10;
	[tilespmem:s30+$0x0] =	vst v2;
	v2 =	vshll.u32 v5, $0x4;
	v5 =	vperm.xlane v17, v6  }
0xc7: {  	v9 =	vshll.u32 v9, $0x4;
	v6 =	vperm.xlane v17, v12;
	[tilespmem:s29+$0xFFFFFFC0] =	vst v63;
	v2 =	vor.u32 v1, v2  }
0xc8: {  	s8 =	simm.s32 $0x8;
	s10 =	simm.s32 $0x600;
	s31 =	simm.s32 $0x50C0;
	v4 =	vshll.u32 v4, $0x4;
	v8 =	vshll.u32 v8, $0x4;
	v3 =	vshll.u32 v5, $0x4;
	[tilespmem:s30+$0xFFFFFFC0] =	vst v2  }
0xc9: {  	s2 =	simm.s32 $0x48C0;
	s0 =	simm.s32 $0x40C0;
	s9 =	simm.s32 $0x58C0;
	v5 =	vshll.u32 v6, $0x4;
	v6 =	vor.u32 v1, v9;
	v2 =	vld [tilespmem:s1+$0x190];
	[tilespmem:s29+$0x20] =	vst v7;
	v7 =	vor.u32 v1, v8  }
.LBB2_5:
0xca: {  	s11 =	sand.u32 $0xFFFFFFF0, s8  }
0xcb: {  	s7 =	sadd.s32 $0x9, s28;
	v8 =	vld [tilespmem:s10+$0x0];
	[tilespmem:s30+$0x20] =	vst v7;
	s5 =	smov.u32 s28;
	s28 =	sadd.s32 $0x8, s28  }
0xcc: {  	v5 =	vor.u32 v1, v5;
	s1 =	sand.u32 $0x8, s28;
	v7 =	vmov s7;
	v9 =	vld [tilespmem:s10+$0xFFFFFE80];
	s7 =	ssub.s32 s28, s11;
	s5 =	ssub.s32 s5, s11;
	[tilespmem:s30+$0xFFFFFFF0] =	vst v6  }
0xcd: {  	v3 =	vor.u32 v1, v3;
	v6 =	vmov s1;
	v7 =	vand.u32 $0xF, v7;
	s1 =	sadd.s32 $0x2, s7;
	s11 =	sadd.s32 $0xB, s5;
	s3 =	sadd.s32 $0x6, s7;
	v10 =	vld [tilespmem:s10+$0x100];
	[tilespmem:s30+$0xFFFFFFE0] =	vst v5  }
0xce: {  	s14 =	sand.u32 $0x70, s28;
	s7 =	sadd.s32 $0x5, s7;
	v5 =	vmov s11;
	v11 =	vld [tilespmem:s10+$0xFFFFFF80];
	s11 =	sadd.s32 $0xC, s5;
	v12 =	vmov s3;
	[tilespmem:s30+$0xFFFFFFD0] =	vst v3;
	v3 =	vor.u32 v1, v4  }
0xcf: {  	p0 =	slt.u32 s28, $0x78;
	v13 =	vmov s1;
	s1 =	sadd.s32 $0xF, s5;
	v4 =	vld [tilespmem:s14+$0x6000];
	v5 =	vand.u32 $0xF, v5;
	v12 =	vand.u32 $0xF, v12;
	[tilespmem:s29+$0x30] =	vst v2;
	s29 =	smov.u32 s31  }
0xd0: {  	v2 =	vand.u32 $0xF, v13;
	v13 =	vld [tilespmem:s10+$0xFFFFFF00];
	v5 =	vbroadcast v5, $0x0;
	v12 =	vbroadcast v12, $0x0;
	[tilespmem:s30+$0x30] =	vst v3;
	s30 =	smov.u32 s9  }
0xd1: {  	v14 =	vmov s1;
	v3 =	vbroadcast v7, $0x0;
	v7 =	vmov s11;
	[tilespmem:s0+$0x0] =	vst v8;
	v8 =	vld [tilespmem:s10+$0x80]  }
0xd2: {  	v16 =	vmov s7;
	v2 =	vbroadcast v2, $0x0;
	v15 =	vld [tilespmem:s10+$0xFFFFFE00];
	[tilespmem:s0+$0x20] =	vst v10;
	v10 =	vand.u32 $0xF, v14  }
0xd3: {  	v7 =	vand.u32 $0xF, v7;
	[tilespmem:s0+$0xFFFFFFF0] =	vst v11;
	v11 =	vand.u32 $0xF, v16;
	v10 =	vbroadcast v10, $0x0;
	v14 =	vld [tilespmem:s10+$0x180]  }
0xd4: {  	[tilespmem:s0+$0xFFFFFFD0] =	vst v9;
	v9 =	vperm.xlane v4, v2;
	v16 =	vperm.xlane v4, v12  }
0xd5: {  	[tilespmem:s0+$0xFFFFFFE0] =	vst v13;
	v13 =	vperm.xlane v4, v5;
	v17 =	vperm.xlane v4, v10  }
0xd6: {  	v18 =	vperm.xlane v4, v6;
	v11 =	vbroadcast v11, $0x0;
	v19 =	vld [tilespmem:s14+$0x6100];
	v9 =	vshll.u32 v9, $0x4;
	[tilespmem:s0+$0x10] =	vst v8  }
0xd7: {  	v8 =	vperm.xlane v4, v3;
	[tilespmem:s0+$0xFFFFFFC0] =	vst v15;
	v13 =	vshll.u32 v13, $0x4;
	v15 =	vshll.u32 v17, $0x4  }
0xd8: {  	v7 =	vbroadcast v7, $0x0;
	v13 =	vor.u32 v1, v13;
	[tilespmem:s0+$0x30] =	vst v14;
	v14 =	vor.u32 v1, v15  }
0xd9: {  	v16 =	vshll.u32 v16, $0x4;
	v8 =	vshll.u32 v8, $0x4;
	v15 =	vperm.xlane v4, v11;
	[tilespmem:s2+$0x30] =	vst v14  }
0xda: {  	v9 =	vor.u32 v1, v9;
	v4 =	vperm.xlane v4, v7;
	v14 =	vshll.u32 v18, $0x4;
	[tilespmem:s2+$0xFFFFFFF0] =	vst v13  }
0xdb: {  	v8 =	vor.u32 v1, v8;
	v13 =	vor.u32 v1, v14;
	v14 =	vshll.u32 v15, $0x4;
	[tilespmem:s2+$0xFFFFFFE0] =	vst v9;
	v9 =	vld [tilespmem:s10+$0xFFFFFF90]  }
0xdc: {  	v4 =	vshll.u32 v4, $0x4;
	v11 =	vperm.xlane v19, v11;
	v14 =	vor.u32 v1, v14;
	[tilespmem:s2+$0xFFFFFFD0] =	vst v8;
	v8 =	vld [tilespmem:s10+$0xFFFFFF10]  }
0xdd: {  	v6 =	vperm.xlane v19, v6;
	v7 =	vperm.xlane v19, v7;
	v15 =	vld [tilespmem:s10+$0xFFFFFE90];
	[tilespmem:s2+$0x10] =	vst v14;
	v14 =	vor.u32 v1, v16  }
0xde: {  	v4 =	vor.u32 v1, v4;
	v12 =	vperm.xlane v19, v12;
	v11 =	vshll.u32 v11, $0x4;
	v16 =	vld [tilespmem:s10+$0x90];
	[tilespmem:s2+$0x20] =	vst v14  }
0xdf: {  	v5 =	vperm.xlane v19, v5;
	v7 =	vshll.u32 v7, $0x4;
	v14 =	vshll.u32 v6, $0x4;
	[tilespmem:s2+$0x0] =	vst v4;
	v17 =	vld [tilespmem:s10+$0x110]  }
0xe0: {  	v3 =	vperm.xlane v19, v3;
	v2 =	vperm.xlane v19, v2;
	v12 =	vshll.u32 v12, $0x4;
	[tilespmem:s2+$0xFFFFFFC0] =	vst v13;
	v13 =	vld [tilespmem:s10+$0x10]  }
0xe1: {  	v4 =	vshll.u32 v5, $0x4;
	[tilespmem:s31+$0xFFFFFFE0] =	vst v8;
	v8 =	vperm.xlane v19, v10  }
0xe2: {  	v3 =	vshll.u32 v3, $0x4;
	v5 =	vshll.u32 v2, $0x4;
	v6 =	vor.u32 v1, v4;
	v10 =	vld [tilespmem:s10+$0xFFFFFE10];
	[tilespmem:s31+$0xFFFFFFF0] =	vst v9  }
0xe3: {  	[tilespmem:s31+$0xFFFFFFD0] =	vst v15;
	v2 =	vld [tilespmem:s10+$0x190];
	v4 =	vshll.u32 v8, $0x4  }
0xe4: {  	[tilespmem:s31+$0x10] =	vst v16  }
0xe5: {  	v7 =	vor.u32 v1, v7;
	v8 =	vor.u32 v1, v11;
	[tilespmem:s31+$0x0] =	vst v13  }
.Ltmp1:
0xe6: {  	[tilespmem:s9+$0x0] =	vst v7;
	(pc) =	sbr.rel @p0 .LBB2_5-.Ltmp1, $4  }
0xe7: {  	[tilespmem:s9+$0x10] =	vst v8  }
0xe8: {  	v7 =	vor.u32 v1, v14;
	[tilespmem:s31+$0xFFFFFFC0] =	vst v10  }
0xe9: {  	s0 =	sadd.s32 $0x80, s0;
	s2 =	sadd.s32 $0x80, s2;
	s31 =	sadd.s32 $0x80, s31;
	[tilespmem:s9+$0xFFFFFFC0] =	vst v7  }
0xea: {  	s8 =	sadd.s32 $0x8, s8;
	s10 =	sadd.s32 $0x400, s10;
	v7 =	vor.u32 v1, v12;
	s9 =	sadd.s32 $0x80, s9;
	[tilespmem:s29+$0x20] =	vst v17  }
0xeb: {  	[tilespmem:s30+$0x20] =	vst v7  }
0xec: {  	[tilespmem:s30+$0xFFFFFFF0] =	vst v6  }
0xed: {  	v5 =	vor.u32 v1, v5;
	[tilespmem:s29+$0x30] =	vst v2  }
0xee: {  	v3 =	vor.u32 v1, v3;
	[tilespmem:s30+$0xFFFFFFE0] =	vst v5  }
0xef: {  	[tilespmem:s30+$0xFFFFFFD0] =	vst v3;
	v3 =	vor.u32 v1, v4  }
0xf0: {  	[tilespmem:s30+$0x30] =	vst v3  }
0xf1: {  	[spmem:s4] =	stream.indirect.scatter.add.f32 [tilespmem:s12], [sflag:$0x1], $0x1, s17, s16, $0xb8;
	[tilespmem:$0x12600] =	vst v63  }
0xf2: {  	_ = 	snop  }
0xf3: {  	[spmem:s4] =	stream.indirect.scatter.add.f32 [tilespmem:s19], [sflag:$0x1], $0x1, s18, s16, $0xb8;
	[tilespmem:$0x12600] =	vst v63  }
0xf4: {  	_ =	swait.ge [sflag:s20], $0x800  }
0xf5: {  	[sflag:s20] =	ssyncset.done $0x0  }
0xf6: {  	[sflag:s20] =	ssyncadd.s32 $0xFFFFF800  }
0xf7: {  	_ =	swait.ge [sflag:s20], $0x800  }
0xf8: {  	[sflag:s20] =	ssyncset.done $0x0  }
0xf9: {  	s0 =	sadd.s32 s26, s23;
	s1 =	simm.s32 $0x0;
	[sflag:s20] =	ssyncadd.s32 $0xFFFFF800  }
0xfa: {  	[tilespmem:s1], [sflag:$0x2] =	stream.linear.gather [hbm4b:s0+s1], $0x4000, $0x38;
	[tilespmem:$0x12600] =	vst v63  }
0xfb: {  	_ =	swait.ge [sflag:s13], $0x4000  }
0xfc: {  	[sflag:s13] =	ssyncset.done $0x0  }
0xfd: {  	s8 =	simm.s32 $0x200;
	[sflag:s13] =	ssyncadd.s32 $0xFFFFC000  }
0xfe: {  	v2 =	vld [tilespmem:s8+$0x0]  }
0xff: {  	s26 =	simm.s32 $0x0;
	s14 =	sand.u32 $0xFFFFFFF0, s1;
	v4 =	vld [tilespmem:s8+$0x100]  }
0x100: {  	s2 =	sand.u32 $0x8, s26;
	s5 =	sand.u32 $0x70, s26;
	s0 =	ssub.s32 $0xFFFFFFF8, s14;
	v5 =	vld [tilespmem:s8+$0xFFFFFF80]  }
0x101: {  	s3 =	ssub.s32 $0x0, s14;
	v7 =	vmov s2;
	s2 =	sadd.s32 $0xB, s0;
	v8 =	vld [tilespmem:s5+$0x6080]  }
0x102: {  	s31 =	simm.s32 $0x1;
	s9 =	sadd.s32 $0x2, s3;
	v9 =	vmov s2;
	v3 =	vld [tilespmem:s8+$0xFFFFFE80]  }
0x103: {  	s7 =	simm.s32 $0x4040;
	v6 =	vmov s31;
	v12 =	vmov s9;
	v9 =	vand.u32 $0xF, v9;
	v11 =	vld [tilespmem:s8+$0xFFFFFF00]  }
0x104: {  	v6 =	vand.u32 $0xF, v6;
	s10 =	sadd.s32 $0x6, s3;
	v12 =	vand.u32 $0xF, v12;
	v9 =	vbroadcast v9, $0x0;
	v14 =	vld [tilespmem:s8+$0xFFFFFE00];
	[tilespmem:s7+$0x0] =	vst v2  }
0x105: {  	v6 =	vbroadcast v6, $0x0;
	v10 =	vmov s10;
	v12 =	vbroadcast v12, $0x0;
	s11 =	sadd.s32 $0xF, s0;
	s0 =	sadd.s32 $0xC, s0;
	[tilespmem:s7+$0x20] =	vst v4  }
0x106: {  	s14 =	sadd.s32 $0x5, s3;
	v13 =	vmov s11;
	v53 =	vmov s0;
	[tilespmem:s7+$0xFFFFFFF0] =	vst v5;
	v16 =	vperm.xlane v8, v9  }
0x107: {  	v2 =	vld [tilespmem:s8+$0x80];
	v4 =	vand.u32 $0xF, v13;
	[tilespmem:s7+$0xFFFFFFD0] =	vst v3;
	v3 =	vmov s14;
	v55 =	vperm.xlane v8, v6  }
0x108: {  	v5 =	vld [tilespmem:s8+$0x180];
	[tilespmem:s7+$0xFFFFFFE0] =	vst v11;
	v13 =	vand.u32 $0xF, v53;
	v4 =	vbroadcast v4, $0x0;
	v56 =	vshll.u32 v16, $0x4  }
0x109: {  	s31 =	simm.s32 $0x4840;
	v17 =	vld [tilespmem:s5+$0x6180];
	[tilespmem:s7+$0xFFFFFFC0] =	vst v14;
	v3 =	vand.u32 $0xF, v3;
	v14 =	vshll.u32 v55, $0x4;
	v57 =	vor.u32 v1, v56  }
0x10a: {  	v13 =	vbroadcast v13, $0x0;
	v54 =	vperm.xlane v8, v4;
	v14 =	vor.u32 v1, v14;
	[tilespmem:s31+$0xFFFFFFF0] =	vst v57  }
0x10b: {  	v10 =	vand.u32 $0xF, v10;
	v15 =	vperm.xlane v8, v12;
	v3 =	vbroadcast v3, $0x0;
	[tilespmem:s31+$0xFFFFFFD0] =	vst v14  }
0x10c: {  	v10 =	vbroadcast v10, $0x0;
	v59 =	vperm.xlane v8, v13;
	[tilespmem:s7+$0x10] =	vst v2;
	v11 =	vshll.u32 v54, $0x4  }
0x10d: {  	v58 =	vperm.xlane v8, v3;
	v2 =	vshll.u32 v15, $0x4;
	[tilespmem:s7+$0x30] =	vst v5;
	v5 =	vor.u32 v1, v11  }
0x10e: {  	v2 =	vor.u32 v1, v2;
	v11 =	vshll.u32 v59, $0x4;
	[tilespmem:s31+$0x30] =	vst v5;
	v5 =	vperm.xlane v8, v10  }
0x10f: {  	v61 =	vld [tilespmem:s8+$0xFFFFFF90];
	[tilespmem:s31+$0xFFFFFFE0] =	vst v2;
	v2 =	vshll.u32 v58, $0x4;
	v8 =	vperm.xlane v8, v7;
	v11 =	vor.u32 v1, v11  }
0x110: {  	v60 =	vld [tilespmem:s8+$0xFFFFFF10];
	v2 =	vor.u32 v1, v2;
	[tilespmem:s31+$0x0] =	vst v11;
	v5 =	vshll.u32 v5, $0x4  }
0x111: {  	[tilespmem:s31+$0x10] =	vst v2;
	v2 =	vor.u32 v1, v5;
	v5 =	vshll.u32 v8, $0x4;
	v8 =	vld [tilespmem:s8+$0xFFFFFE90]  }
0x112: {  	[tilespmem:s31+$0x20] =	vst v2;
	v2 =	vor.u32 v1, v5;
	v5 =	vld [tilespmem:s8+$0x90]  }
0x113: {  	s28 =	simm.s32 $0x5040;
	[tilespmem:s31+$0xFFFFFFC0] =	vst v2;
	v2 =	vld [tilespmem:s8+$0x10]  }
0x114: {  	[tilespmem:s28+$0xFFFFFFF0] =	vst v61  }
0x115: {  	v3 =	vperm.xlane v17, v3;
	[tilespmem:s28+$0xFFFFFFE0] =	vst v60  }
0x116: {  	v62 =	vperm.xlane v17, v13;
	v63 =	vld [tilespmem:s8+$0xFFFFFE10];
	[tilespmem:s28+$0xFFFFFFD0] =	vst v8  }
0x117: {  	v3 =	vshll.u32 v3, $0x4;
	[tilespmem:s28+$0x10] =	vst v5  }
0x118: {  	s29 =	simm.s32 $0x5840;
	v3 =	vor.u32 v1, v3;
	v8 =	vshll.u32 v62, $0x4;
	v5 =	vperm.xlane v17, v7;
	v7 =	vld [tilespmem:s8+$0x110];
	[tilespmem:s28+$0x0] =	vst v2  }
0x119: {  	v9 =	vperm.xlane v17, v9;
	v4 =	vperm.xlane v17, v4;
	v2 =	vor.u32 v1, v8;
	[tilespmem:s29+$0x10] =	vst v3  }
0x11a: {  	v8 =	vperm.xlane v17, v10;
	[tilespmem:s29+$0x0] =	vst v2;
	v2 =	vshll.u32 v5, $0x4;
	v5 =	vperm.xlane v17, v6  }
0x11b: {  	v9 =	vshll.u32 v9, $0x4;
	v6 =	vperm.xlane v17, v12;
	[tilespmem:s28+$0xFFFFFFC0] =	vst v63;
	v2 =	vor.u32 v1, v2  }
0x11c: {  	s30 =	simm.s32 $0x50C0;
	s9 =	simm.s32 $0x58C0;
	s10 =	simm.s32 $0x600;
	v4 =	vshll.u32 v4, $0x4;
	v8 =	vshll.u32 v8, $0x4;
	v3 =	vshll.u32 v5, $0x4;
	[tilespmem:s29+$0xFFFFFFC0] =	vst v2  }
0x11d: {  	s2 =	simm.s32 $0x48C0;
	s0 =	simm.s32 $0x40C0;
	v5 =	vshll.u32 v6, $0x4;
	v6 =	vor.u32 v1, v9;
	v2 =	vld [tilespmem:s8+$0x190];
	s8 =	simm.s32 $0x8;
	[tilespmem:s28+$0x20] =	vst v7;
	v7 =	vor.u32 v1, v8  }
.LBB2_7:
0x11e: {  	s1 =	sand.u32 $0xFFFFFFF0, s8  }
0x11f: {  	s3 =	sadd.s32 $0x9, s26;
	v8 =	vld [tilespmem:s10+$0x0];
	[tilespmem:s29+$0x20] =	vst v7;
	s5 =	smov.u32 s26;
	s26 =	sadd.s32 $0x8, s26  }
0x120: {  	v5 =	vor.u32 v1, v5;
	s7 =	sand.u32 $0x8, s26;
	v7 =	vmov s3;
	v9 =	vld [tilespmem:s10+$0xFFFFFE80];
	s3 =	ssub.s32 s26, s1;
	s1 =	ssub.s32 s5, s1;
	[tilespmem:s29+$0xFFFFFFF0] =	vst v6  }
0x121: {  	v3 =	vor.u32 v1, v3;
	v6 =	vmov s7;
	v7 =	vand.u32 $0xF, v7;
	s5 =	sadd.s32 $0x2, s3;
	s7 =	sadd.s32 $0xB, s1;
	s11 =	sadd.s32 $0x6, s3;
	v10 =	vld [tilespmem:s10+$0x100];
	[tilespmem:s29+$0xFFFFFFE0] =	vst v5  }
0x122: {  	s14 =	sand.u32 $0x70, s26;
	s3 =	sadd.s32 $0x5, s3;
	v5 =	vmov s7;
	v11 =	vld [tilespmem:s10+$0xFFFFFF80];
	s7 =	sadd.s32 $0xC, s1;
	v12 =	vmov s11;
	[tilespmem:s29+$0xFFFFFFD0] =	vst v3;
	v3 =	vor.u32 v1, v4  }
0x123: {  	p0 =	slt.u32 s26, $0x78;
	v13 =	vmov s5;
	s1 =	sadd.s32 $0xF, s1;
	v4 =	vld [tilespmem:s14+$0x6080];
	v5 =	vand.u32 $0xF, v5;
	v12 =	vand.u32 $0xF, v12;
	[tilespmem:s28+$0x30] =	vst v2;
	s28 =	smov.u32 s30  }
0x124: {  	v2 =	vand.u32 $0xF, v13;
	v13 =	vld [tilespmem:s10+$0xFFFFFF00];
	v5 =	vbroadcast v5, $0x0;
	v12 =	vbroadcast v12, $0x0;
	[tilespmem:s29+$0x30] =	vst v3;
	s29 =	smov.u32 s9  }
0x125: {  	v14 =	vmov s1;
	v3 =	vbroadcast v7, $0x0;
	v7 =	vmov s7;
	[tilespmem:s0+$0x0] =	vst v8;
	v8 =	vld [tilespmem:s10+$0x80]  }
0x126: {  	v16 =	vmov s3;
	v2 =	vbroadcast v2, $0x0;
	v15 =	vld [tilespmem:s10+$0xFFFFFE00];
	[tilespmem:s0+$0x20] =	vst v10;
	v10 =	vand.u32 $0xF, v14  }
0x127: {  	v7 =	vand.u32 $0xF, v7;
	[tilespmem:s0+$0xFFFFFFF0] =	vst v11;
	v11 =	vand.u32 $0xF, v16;
	v10 =	vbroadcast v10, $0x0;
	v14 =	vld [tilespmem:s10+$0x180]  }
0x128: {  	[tilespmem:s0+$0xFFFFFFD0] =	vst v9;
	v9 =	vperm.xlane v4, v2;
	v16 =	vperm.xlane v4, v12  }
0x129: {  	[tilespmem:s0+$0xFFFFFFE0] =	vst v13;
	v13 =	vperm.xlane v4, v5;
	v17 =	vperm.xlane v4, v10  }
0x12a: {  	v18 =	vperm.xlane v4, v6;
	v11 =	vbroadcast v11, $0x0;
	v19 =	vld [tilespmem:s14+$0x6180];
	v9 =	vshll.u32 v9, $0x4;
	[tilespmem:s0+$0x10] =	vst v8  }
0x12b: {  	v8 =	vperm.xlane v4, v3;
	[tilespmem:s0+$0xFFFFFFC0] =	vst v15;
	v13 =	vshll.u32 v13, $0x4;
	v15 =	vshll.u32 v17, $0x4  }
0x12c: {  	v7 =	vbroadcast v7, $0x0;
	v13 =	vor.u32 v1, v13;
	[tilespmem:s0+$0x30] =	vst v14;
	v14 =	vor.u32 v1, v15  }
0x12d: {  	v16 =	vshll.u32 v16, $0x4;
	v8 =	vshll.u32 v8, $0x4;
	v15 =	vperm.xlane v4, v11;
	[tilespmem:s2+$0x30] =	vst v14  }
0x12e: {  	v9 =	vor.u32 v1, v9;
	v4 =	vperm.xlane v4, v7;
	v14 =	vshll.u32 v18, $0x4;
	[tilespmem:s2+$0xFFFFFFF0] =	vst v13  }
0x12f: {  	v8 =	vor.u32 v1, v8;
	v13 =	vor.u32 v1, v14;
	v14 =	vshll.u32 v15, $0x4;
	[tilespmem:s2+$0xFFFFFFE0] =	vst v9;
	v9 =	vld [tilespmem:s10+$0xFFFFFF90]  }
0x130: {  	v4 =	vshll.u32 v4, $0x4;
	v11 =	vperm.xlane v19, v11;
	v14 =	vor.u32 v1, v14;
	[tilespmem:s2+$0xFFFFFFD0] =	vst v8;
	v8 =	vld [tilespmem:s10+$0xFFFFFF10]  }
0x131: {  	v6 =	vperm.xlane v19, v6;
	v7 =	vperm.xlane v19, v7;
	v15 =	vld [tilespmem:s10+$0xFFFFFE90];
	[tilespmem:s2+$0x10] =	vst v14;
	v14 =	vor.u32 v1, v16  }
0x132: {  	v4 =	vor.u32 v1, v4;
	v12 =	vperm.xlane v19, v12;
	v11 =	vshll.u32 v11, $0x4;
	v16 =	vld [tilespmem:s10+$0x90];
	[tilespmem:s2+$0x20] =	vst v14  }
0x133: {  	v5 =	vperm.xlane v19, v5;
	v7 =	vshll.u32 v7, $0x4;
	v14 =	vshll.u32 v6, $0x4;
	[tilespmem:s2+$0x0] =	vst v4;
	v17 =	vld [tilespmem:s10+$0x110]  }
0x134: {  	v3 =	vperm.xlane v19, v3;
	v2 =	vperm.xlane v19, v2;
	v12 =	vshll.u32 v12, $0x4;
	[tilespmem:s2+$0xFFFFFFC0] =	vst v13;
	v13 =	vld [tilespmem:s10+$0x10]  }
0x135: {  	v4 =	vshll.u32 v5, $0x4;
	[tilespmem:s30+$0xFFFFFFE0] =	vst v8;
	v8 =	vperm.xlane v19, v10  }
0x136: {  	v3 =	vshll.u32 v3, $0x4;
	v5 =	vshll.u32 v2, $0x4;
	v6 =	vor.u32 v1, v4;
	v10 =	vld [tilespmem:s10+$0xFFFFFE10];
	[tilespmem:s30+$0xFFFFFFF0] =	vst v9  }
0x137: {  	[tilespmem:s30+$0xFFFFFFD0] =	vst v15;
	v2 =	vld [tilespmem:s10+$0x190];
	v4 =	vshll.u32 v8, $0x4  }
0x138: {  	[tilespmem:s30+$0x10] =	vst v16  }
0x139: {  	v7 =	vor.u32 v1, v7;
	v8 =	vor.u32 v1, v11;
	[tilespmem:s30+$0x0] =	vst v13  }
.Ltmp2:
0x13a: {  	[tilespmem:s9+$0x0] =	vst v7;
	(pc) =	sbr.rel @p0 .LBB2_7-.Ltmp2, $4  }
0x13b: {  	[tilespmem:s9+$0x10] =	vst v8  }
0x13c: {  	v7 =	vor.u32 v1, v14;
	[tilespmem:s30+$0xFFFFFFC0] =	vst v10  }
0x13d: {  	s0 =	sadd.s32 $0x80, s0;
	s2 =	sadd.s32 $0x80, s2;
	s30 =	sadd.s32 $0x80, s30;
	[tilespmem:s9+$0xFFFFFFC0] =	vst v7  }
0x13e: {  	s8 =	sadd.s32 $0x8, s8;
	s10 =	sadd.s32 $0x400, s10;
	v7 =	vor.u32 v1, v12;
	s9 =	sadd.s32 $0x80, s9;
	[tilespmem:s28+$0x20] =	vst v17  }
0x13f: {  	[tilespmem:s29+$0x20] =	vst v7  }
0x140: {  	[tilespmem:s29+$0xFFFFFFF0] =	vst v6  }
0x141: {  	v5 =	vor.u32 v1, v5;
	[tilespmem:s28+$0x30] =	vst v2  }
0x142: {  	v3 =	vor.u32 v1, v3;
	[tilespmem:s29+$0xFFFFFFE0] =	vst v5  }
0x143: {  	[tilespmem:s29+$0xFFFFFFD0] =	vst v3;
	v3 =	vor.u32 v1, v4  }
0x144: {  	[tilespmem:s29+$0x30] =	vst v3  }
0x145: {  	[spmem:s4] =	stream.indirect.scatter.add.f32 [tilespmem:s12], [sflag:$0x1], $0x1, s17, s16, $0xb8;
	[tilespmem:$0x12600] =	vst v63  }
0x146: {  	s25 =	sadd.s32 $0x1, s25  }
0x147: {  	[spmem:s4] =	stream.indirect.scatter.add.f32 [tilespmem:s19], [sflag:$0x1], $0x1, s18, s16, $0xb8;
	[tilespmem:$0x12600] =	vst v63  }
0x148: {  	p0 =	sne.s32 s25, s22;
	_ =	swait.ge [sflag:s20], $0x800  }
.Ltmp3:
0x149: {  	[sflag:s20] =	ssyncset.done $0x0;
	(pc) =	sbr.rel @p0 .LBB2_4-.Ltmp3, $4  }
0x14a: {  	[sflag:s20] =	ssyncadd.s32 $0xFFFFF800  }
0x14b: {  	_ =	swait.ge [sflag:s20], $0x800  }
0x14c: {  	[sflag:s20] =	ssyncset.done $0x0  }
0x14d: {  	[sflag:s20] =	ssyncadd.s32 $0xFFFFF800  }
0x14e: {  	s0 =	stileid.u32;
	[bflag:$0x0] =	sbarrier.arrive $0xFFFF  }
0x14f: {  	s0 =	sshll.u32 s0, $0x6;
	s5 =	rddreg [dreg:$0x6]  }
0x150: {  	s2 =	rddreg [dreg:$0x14];
	s0 =	sor.u32 $0x1C02, s0;
	s1 =	sshrl.u32 s5, $0x3  }
0x151: {  	[hbm:s2], [sflag:s0] =	dma.local [spmem:s1], $0x1880  }
0x152: {  	_ =	swait.ge [sflag:s13], $0x1880  }
0x153: {  	s3 =	rddreg [dreg:$0x5]  }
0x154: {  	s31 =	rddreg [dreg:$0x15];
	s3 =	sadd.s32 $0x1, s3  }
0x155: {  	p0 =	sne.s32 s3, s31  }
.Ltmp4:
0x156: {  	_ = 	snop;
	(pc) =	sbr.rel @p0 .LBB2_1-.Ltmp4, $3  }
0x157: {  	_ =	sdelay $0x1  }
0x158: {  	[sflag:s13] =	ssyncset.done $0x0  }
0x159: {  	[sflag:s13] =	ssyncadd.s32 $0xFFFFE780  }
0x15a: {  	_ =	sfence.sel $0x180000  }
0x15b: {  	[bflag:$0x0] =	sbarrier.arrive $0xFFFF  }
0x15c: {  	_ =	strace $0x90000047  }
0x15d: {  	s0 =	stileid.u32;
	[bflag:$0x2] =	sbarrier.arrive $0xFFFF  }
0x15e: {  	p0 =	sne.s32 s0, $0x0;
	s0 =	rddreg [dreg:$0x4]  }
0x15f: {  	s0 =	sadd.s32 @!p0 $0x100000, s0  }
0x160: {  	[sflag:s0] =	ssyncadd.tile.s32 @!p0 $0x1;
	_ =	shalt  }
.Lfunc_end2:
_tile_overlayer_lowered:
.L_overlay_start_2:
0x161: {  	(tag) =	ssettag $0x2  }
0x162: {  	s0 =	rddreg [dreg:$0x0];
	s2 =	stileid.u32  }
0x163: {  	s1 =	rddreg [dreg:$0x1];
	p0 =	sne.s32 s2, $0x0  }
0x164: {  	s3 =	rddreg [dreg:$0x2];
	[bflag:$0x3] =	sbarrier.arrive $0xFFFF;
	s2 =	simm.s32 @!p0 $0x1C02  }
0x165: {  	[timem:s3], [sflag:s2] =	dma.local @!p0 [hbm:s0], s1  }
0x166: {  	s0 =	simm.s32 @!p0 $0x2  }
0x167: {  	_ =	swait.ge @!p0 [sflag:s0], s1  }
0x168: {  	s1 =	ssub.s32 @!p0 $0x0, s1;
	[sflag:s0] =	ssyncset.done @!p0 $0x0  }
0x169: {  	[sflag:s0] =	ssyncadd.s32 @!p0 s1  }
0x16a: {  	[bflag:$0x3] =	sbarrier.arrive $0xFFFF  }
0x16b: {  	_ =	shalt  }

</sc_bundles>
